<compile_context>
chip_gen: v7x
topology: tpu7x:2x2x1
jax: 0.10.2.dev20260603
libtpu: 0.0.44.dev20260713+nightly
codegen_flags: <defaults>
</compile_context>

<pallas_src>
import functools

import jax
import jax.numpy as jnp
import numpy as np
from jax import lax
from jax.experimental import pallas as pl
from jax.experimental.pallas import tpu as pltpu
from jax.experimental.pallas import tpu_sc as plsc

MAX_COUNT = 255
EMBED_DIM = 128
NUM_CORES = 2
NUM_SUBCORES = 16
NUM_WORKERS = NUM_CORES * NUM_SUBCORES
LANES = 16
CHUNK = 64
NBUF = 5
TABLE_ROWS = MAX_COUNT + 1


@functools.cache
def _build(n_chunks: int, fields: int):
    b_per_w = n_chunks * CHUNK
    total = NUM_WORKERS * b_per_w
    n_rounds = n_chunks // NBUF
    band = 8 * fields
    period = int(np.lcm(band, CHUNK))
    chunks_per_period = period // CHUNK
    assert n_chunks % chunks_per_period == 0 and b_per_w % band == 0
    mesh = plsc.VectorSubcoreMesh(core_axis_name="c", subcore_axis_name="s")

    @functools.partial(
        pl.kernel,
        out_type=jax.ShapeDtypeStruct((total, EMBED_DIM), jnp.float32),
        mesh=mesh,
        compiler_params=pltpu.CompilerParams(needs_layout_passes=False),
        scratch_types=[
            pltpu.VMEM_SHARED((TABLE_ROWS, EMBED_DIM), jnp.float32),
            pltpu.VMEM((b_per_w // fields, fields), jnp.int32),
            pltpu.VMEM((period,), jnp.int32),
            pltpu.VMEM((period,), jnp.int32),
            [pltpu.VMEM((CHUNK,), jnp.int32) for _ in range(NBUF)],
            [pltpu.VMEM((CHUNK, EMBED_DIM), jnp.float32) for _ in range(NBUF)],
            [pltpu.SemaphoreType.DMA for _ in range(NBUF)],
            [pltpu.SemaphoreType.DMA for _ in range(NBUF)],
        ],
    )
    def gather_kernel(
        feat_hbm, extra_hbm, idx_hbm, rrel_hbm, crel_hbm, out_hbm,
        table_sp, idx_v, rrel_v, crel_v, pidx, rows, semg, sems,
    ):
        sid = lax.axis_index("s")
        wid = sid * NUM_CORES + lax.axis_index("c")
        base = wid * b_per_w

        @pl.when(sid == 0)
        def _():
            pltpu.sync_copy(feat_hbm, table_sp.at[pl.ds(0, MAX_COUNT)])
            pltpu.sync_copy(extra_hbm, table_sp.at[pl.ds(MAX_COUNT, 1)])

        rows_per_w = b_per_w // fields
        pltpu.sync_copy(idx_hbm.at[pl.ds(wid * rows_per_w, rows_per_w)], idx_v)
        pltpu.sync_copy(rrel_hbm, rrel_v)
        pltpu.sync_copy(crel_hbm, crel_v)
        plsc.subcore_barrier()

        def build_pidx(b, chunk):
            group = chunk // chunks_per_period
            rem = chunk % chunks_per_period
            goff = group * (period // fields)
            for q16 in range(CHUNK // LANES):
                rv = rrel_v[pl.ds(rem * CHUNK + q16 * LANES, LANES)] + goff
                cv = crel_v[pl.ds(rem * CHUNK + q16 * LANES, LANES)]
                vals = plsc.load_gather(idx_v, [rv, cv])
                pidx[b][pl.ds(q16 * LANES, LANES)] = vals

        def start_gather(b):
            pltpu.async_copy(table_sp.at[pidx[b]], rows[b], semg[b])

        def wait_gather(b):
            pltpu.make_async_copy(
                out_hbm.at[pl.ds(0, CHUNK)], rows[b], semg[b]
            ).wait()

        def start_store(b, chunk):
            pltpu.async_copy(
                rows[b], out_hbm.at[pl.ds(base + chunk * CHUNK, CHUNK)], sems[b]
            )

        def wait_store(b):
            pltpu.make_async_copy(
                rows[b], out_hbm.at[pl.ds(0, CHUNK)], sems[b]
            ).wait()

        for b in range(NBUF):
            build_pidx(b, b)
            start_gather(b)

        def round_body(j, carry):
            for b in range(NBUF):
                wait_gather(b)
                start_store(b, j * NBUF + b)
            for b in range(NBUF):
                wait_store(b)
                build_pidx(b, (j + 1) * NBUF + b)
                start_gather(b)
            return carry

        lax.fori_loop(0, n_rounds - 1, round_body, 0)

        for b in range(NBUF):
            wait_gather(b)
            start_store(b, (n_rounds - 1) * NBUF + b)
        for b in range(NBUF):
            wait_store(b)

    return gather_kernel


def kernel(tensor, int_to_feat_matrix, extra_embeddings):
    batch, fields = tensor.shape
    total = batch * fields
    b_per_w = total // NUM_WORKERS
    band = 8 * fields
    period = int(np.lcm(band, CHUNK))
    q = np.arange(period)
    r = q % band
    rrel = jnp.asarray((q // band) * 8 + r % 8, dtype=jnp.int32)
    crel = jnp.asarray(r // 8, dtype=jnp.int32)
    idx = tensor.astype(jnp.int32)
    out = _build(b_per_w // CHUNK, fields)(
        int_to_feat_matrix, extra_embeddings, idx, rrel, crel
    )
    bands = batch // 8
    return (
        out.reshape(bands, fields, 8, EMBED_DIM)
        .transpose(0, 2, 1, 3)
        .reshape(batch, fields * EMBED_DIM)
    )

# --- scband reference (transcript-rebuilt; emitter-appended) ---
"""Pipeline reference for scband-int-featurizer-90245852824253 (READ-ONLY COPY).

The authoritative reference and input builder live on the scoring server;
editing this copy changes nothing except your own understanding.
"""

import jax, jax.numpy as jnp
import numpy as np

MAX_COUNT_INT = 255
NUM_EXTRA_EMBEDDINGS = 1
EMBED_DIM = 128
BATCH = 16384
FIELDS = 100


def setup_inputs(seed: int = 0) -> dict:
    key = jax.random.key(seed)
    k1, k2, k3 = jax.random.split(key, 3)
    # count features in [0, 256): values >= 255 route to the extra embedding (index 0)
    tensor = jax.random.randint(k1, (BATCH, FIELDS), 0, MAX_COUNT_INT + NUM_EXTRA_EMBEDDINGS)
    # learned params materialized per init_kwargs
    int_to_feat_matrix = jax.random.normal(k2, (MAX_COUNT_INT, EMBED_DIM), dtype=jnp.float32)
    extra_embeddings = jax.random.normal(k3, (NUM_EXTRA_EMBEDDINGS, EMBED_DIM), dtype=jnp.float32)
    return {
        "tensor": tensor,
        "int_to_feat_matrix": int_to_feat_matrix,
        "extra_embeddings": extra_embeddings,
    }


def reference(tensor, int_to_feat_matrix, extra_embeddings):
    # mask of entries that use the extra embedding table
    extra_mask = tensor >= MAX_COUNT_INT
    t = tensor.astype(jnp.int32)
    # normal lookup: int value -> feature row (clip keeps gather in-range for masked-out lanes)
    norm_embeds = jnp.take(int_to_feat_matrix, jnp.clip(t, 0, MAX_COUNT_INT - 1), axis=0)
    # extra lookup: (value - MAX_COUNT_INT) indexes the extra table
    extra_idx = jnp.clip(t - MAX_COUNT_INT, 0, NUM_EXTRA_EMBEDDINGS - 1)
    extra_embeds = jnp.take(extra_embeddings, extra_idx, axis=0)
    # select per-element, matching the torch masked writes
    out = jnp.where(extra_mask[..., None], extra_embeds, norm_embeds)
    # reshape(*orig_shape[:-1], -1): fold last dim into embedding dim
    return out.reshape(tensor.shape[0], -1)

if __name__ == "__main__":
    import jax
    _d = setup_inputs()
    print(jax.jit(kernel)(*tuple(_d.values())))

</pallas_src>

<mosaic_0001>
#map = affine_map<(d0, d1) -> (0, 0)>
#map1 = affine_map<(d0, d1) -> (0)>
module attributes {stable_mosaic.version = 14 : i64} {
  func.func @gather_kernel(%arg0: i32, %arg1: i32, %arg2: memref<255x128xf32, #tpu.memory_space<hbm>>, %arg3: memref<1x128xf32, #tpu.memory_space<hbm>>, %arg4: memref<16384x100xi32, #tpu.memory_space<hbm>>, %arg5: memref<1600xi32, #tpu.memory_space<hbm>>, %arg6: memref<1600xi32, #tpu.memory_space<hbm>>, %arg7: memref<1638400x128xf32, #tpu.memory_space<hbm>>, %arg8: memref<256x128xf32, #tpu.memory_space<vmem_shared>>, %arg9: memref<512x100xi32, #tpu.memory_space<vmem>>, %arg10: memref<1600xi32, #tpu.memory_space<vmem>>, %arg11: memref<1600xi32, #tpu.memory_space<vmem>>, %arg12: memref<64xi32, #tpu.memory_space<vmem>>, %arg13: memref<64xi32, #tpu.memory_space<vmem>>, %arg14: memref<64xi32, #tpu.memory_space<vmem>>, %arg15: memref<64xi32, #tpu.memory_space<vmem>>, %arg16: memref<64xi32, #tpu.memory_space<vmem>>, %arg17: memref<64x128xf32, #tpu.memory_space<vmem>>, %arg18: memref<64x128xf32, #tpu.memory_space<vmem>>, %arg19: memref<64x128xf32, #tpu.memory_space<vmem>>, %arg20: memref<64x128xf32, #tpu.memory_space<vmem>>, %arg21: memref<64x128xf32, #tpu.memory_space<vmem>>, %arg22: memref<!tpu.dma_semaphore, #tpu.memory_space<semaphore_mem>>, %arg23: memref<!tpu.dma_semaphore, #tpu.memory_space<semaphore_mem>>, %arg24: memref<!tpu.dma_semaphore, #tpu.memory_space<semaphore_mem>>, %arg25: memref<!tpu.dma_semaphore, #tpu.memory_space<semaphore_mem>>, %arg26: memref<!tpu.dma_semaphore, #tpu.memory_space<semaphore_mem>>, %arg27: memref<!tpu.dma_semaphore, #tpu.memory_space<semaphore_mem>>, %arg28: memref<!tpu.dma_semaphore, #tpu.memory_space<semaphore_mem>>, %arg29: memref<!tpu.dma_semaphore, #tpu.memory_space<semaphore_mem>>, %arg30: memref<!tpu.dma_semaphore, #tpu.memory_space<semaphore_mem>>, %arg31: memref<!tpu.dma_semaphore, #tpu.memory_space<semaphore_mem>>) attributes {dimension_semantics = [#tpu.dimension_semantics<core_parallel>, #tpu.dimension_semantics<subcore_parallel>], iteration_bounds = array<i64: 2, 16>, scalar_prefetch = 0 : i64, scratch_operands = 24 : i64, tpu.core_type = #tpu.core_type<sc_vector_subcore>, window_params = [{transform_indices = #map}, {transform_indices = #map}, {transform_indices = #map}, {transform_indices = #map1}, {transform_indices = #map1}, {transform_indices = #map}]} {
    %mul3A = arith.constant 2 : i32
    %mul3A_0 = arith.muli %arg1, %mul3A : i32
    %add3A = arith.addi %mul3A_0, %arg0 : i32
    %mul3A_1 = arith.constant 51200 : i32
    %mul3A_2 = arith.muli %add3A, %mul3A_1 : i32
    %eq3A = arith.constant 0 : i32
    %eq3A_3 = arith.cmpi eq, %arg1, %eq3A : i32
    %convert_element_type3A = arith.extui %eq3A_3 : i1 to i32
    %cond3A = arith.constant 0 : i32
    %cond3A_4 = arith.cmpi ne, %convert_element_type3A, %cond3A : i32
    scf.if %cond3A_4 {
      "tpu.region"() ({
        %run_scoped3A = tpu.sem_alloc : memref<!tpu.dma_semaphore, #tpu.memory_space<semaphore_mem>>
        %dma_start3A_312 = arith.constant 0 : i32
        %dma_start3A_313 = arith.constant 0 : i32
        %dma_start3A_314 = tpu.memref_slice %arg8[%dma_start3A_312, %dma_start3A_313] : memref<256x128xf32, #tpu.memory_space<vmem_shared>> -> memref<255x128xf32, #tpu.memory_space<vmem_shared>>
        tpu.enqueue_dma source(%arg2 : memref<255x128xf32, #tpu.memory_space<hbm>>) target(%dma_start3A_314 : memref<255x128xf32, #tpu.memory_space<vmem_shared>>) target_semaphore(%run_scoped3A : memref<!tpu.dma_semaphore, #tpu.memory_space<semaphore_mem>>)
        %dma_wait3A_315 = arith.constant 0 : i32
        %dma_wait3A_316 = arith.constant 0 : i32
        %dma_wait3A_317 = tpu.memref_slice %arg8[%dma_wait3A_315, %dma_wait3A_316] : memref<256x128xf32, #tpu.memory_space<vmem_shared>> -> memref<255x128xf32, #tpu.memory_space<vmem_shared>>
        tpu.wait_dma2 semaphore(%run_scoped3A : memref<!tpu.dma_semaphore, #tpu.memory_space<semaphore_mem>>) src(%arg2 : memref<255x128xf32, #tpu.memory_space<hbm>>) dst(%dma_wait3A_317 : memref<255x128xf32, #tpu.memory_space<vmem_shared>>)
        tpu.yield
      }) : () -> ()
      "tpu.region"() ({
        %run_scoped3A = tpu.sem_alloc : memref<!tpu.dma_semaphore, #tpu.memory_space<semaphore_mem>>
        %dma_start3A_312 = arith.constant 255 : i32
        %dma_start3A_313 = arith.constant 0 : i32
        %dma_start3A_314 = tpu.memref_slice %arg8[%dma_start3A_312, %dma_start3A_313] : memref<256x128xf32, #tpu.memory_space<vmem_shared>> -> memref<1x128xf32, #tpu.memory_space<vmem_shared>>
        tpu.enqueue_dma source(%arg3 : memref<1x128xf32, #tpu.memory_space<hbm>>) target(%dma_start3A_314 : memref<1x128xf32, #tpu.memory_space<vmem_shared>>) target_semaphore(%run_scoped3A : memref<!tpu.dma_semaphore, #tpu.memory_space<semaphore_mem>>)
        %dma_wait3A_315 = arith.constant 255 : i32
        %dma_wait3A_316 = arith.constant 0 : i32
        %dma_wait3A_317 = tpu.memref_slice %arg8[%dma_wait3A_315, %dma_wait3A_316] : memref<256x128xf32, #tpu.memory_space<vmem_shared>> -> memref<1x128xf32, #tpu.memory_space<vmem_shared>>
        tpu.wait_dma2 semaphore(%run_scoped3A : memref<!tpu.dma_semaphore, #tpu.memory_space<semaphore_mem>>) src(%arg3 : memref<1x128xf32, #tpu.memory_space<hbm>>) dst(%dma_wait3A_317 : memref<1x128xf32, #tpu.memory_space<vmem_shared>>)
        tpu.yield
      }) : () -> ()
    } else {
    }
    %mul3A_5 = arith.constant 512 : i32
    %mul3A_6 = arith.muli %add3A, %mul3A_5 : i32
    "tpu.region"() ({
      %run_scoped3A = tpu.sem_alloc : memref<!tpu.dma_semaphore, #tpu.memory_space<semaphore_mem>>
      %dma_start3A_312 = arith.constant 0 : i32
      %dma_start3A_313 = tpu.memref_slice %arg4[%mul3A_6, %dma_start3A_312] : memref<16384x100xi32, #tpu.memory_space<hbm>> -> memref<512x100xi32, #tpu.memory_space<hbm>>
      %dma_start3A_314 = arith.constant 0 : i32
      %dma_start3A_315 = tpu.memref_slice %arg4[%mul3A_6, %dma_start3A_314] : memref<16384x100xi32, #tpu.memory_space<hbm>> -> memref<512x100xi32, #tpu.memory_space<hbm>>
      tpu.enqueue_dma source(%dma_start3A_315 : memref<512x100xi32, #tpu.memory_space<hbm>>) target(%arg9 : memref<512x100xi32, #tpu.memory_space<vmem>>) target_semaphore(%run_scoped3A : memref<!tpu.dma_semaphore, #tpu.memory_space<semaphore_mem>>)
      %dma_wait3A_316 = arith.constant 0 : i32
      %dma_wait3A_317 = tpu.memref_slice %arg4[%mul3A_6, %dma_wait3A_316] : memref<16384x100xi32, #tpu.memory_space<hbm>> -> memref<512x100xi32, #tpu.memory_space<hbm>>
      %dma_wait3A_318 = arith.constant 0 : i32
      %dma_wait3A_319 = tpu.memref_slice %arg4[%mul3A_6, %dma_wait3A_318] : memref<16384x100xi32, #tpu.memory_space<hbm>> -> memref<512x100xi32, #tpu.memory_space<hbm>>
      tpu.wait_dma2 semaphore(%run_scoped3A : memref<!tpu.dma_semaphore, #tpu.memory_space<semaphore_mem>>) src(%dma_wait3A_319 : memref<512x100xi32, #tpu.memory_space<hbm>>) dst(%arg9 : memref<512x100xi32, #tpu.memory_space<vmem>>)
      tpu.yield
    }) : () -> ()
    "tpu.region"() ({
      %run_scoped3A = tpu.sem_alloc : memref<!tpu.dma_semaphore, #tpu.memory_space<semaphore_mem>>
      tpu.enqueue_dma source(%arg5 : memref<1600xi32, #tpu.memory_space<hbm>>) target(%arg10 : memref<1600xi32, #tpu.memory_space<vmem>>) target_semaphore(%run_scoped3A : memref<!tpu.dma_semaphore, #tpu.memory_space<semaphore_mem>>)
      tpu.wait_dma2 semaphore(%run_scoped3A : memref<!tpu.dma_semaphore, #tpu.memory_space<semaphore_mem>>) src(%arg5 : memref<1600xi32, #tpu.memory_space<hbm>>) dst(%arg10 : memref<1600xi32, #tpu.memory_space<vmem>>)
      tpu.yield
    }) : () -> ()
    "tpu.region"() ({
      %run_scoped3A = tpu.sem_alloc : memref<!tpu.dma_semaphore, #tpu.memory_space<semaphore_mem>>
      tpu.enqueue_dma source(%arg6 : memref<1600xi32, #tpu.memory_space<hbm>>) target(%arg11 : memref<1600xi32, #tpu.memory_space<vmem>>) target_semaphore(%run_scoped3A : memref<!tpu.dma_semaphore, #tpu.memory_space<semaphore_mem>>)
      tpu.wait_dma2 semaphore(%run_scoped3A : memref<!tpu.dma_semaphore, #tpu.memory_space<semaphore_mem>>) src(%arg6 : memref<1600xi32, #tpu.memory_space<hbm>>) dst(%arg11 : memref<1600xi32, #tpu.memory_space<vmem>>)
      tpu.yield
    }) : () -> ()
    %barrier3A = arith.constant 0 : index
    tpu.barrier barrier_id(%barrier3A)
    %get3A = arith.constant 0 : index
    %get3A_7 = tpu.vector_load %arg10[%get3A] {strides = array<i32>} : memref<1600xi32, #tpu.memory_space<vmem>>, vector<16xi32>,
    %add3A_8 = arith.constant 0 : i32
    %add3A_9 = vector.broadcast %add3A_8 : i32 to vector<16xi32>
    %add3A_10 = arith.addi %get3A_7, %add3A_9 : vector<16xi32>
    %get3A_11 = arith.constant 0 : index
    %get3A_12 = tpu.vector_load %arg11[%get3A_11] {strides = array<i32>} : memref<1600xi32, #tpu.memory_space<vmem>>, vector<16xi32>,
    %gather3A = tpu.vector_load_idx %arg9[%add3A_10, %get3A_12] : memref<512x100xi32, #tpu.memory_space<vmem>>[vector<16xi32>, vector<16xi32>], vector<16xi32>,
    %swap3A = arith.constant 0 : index
    %swap3A_13 = tpu.vector_load %arg12[%swap3A] {strides = array<i32>} : memref<64xi32, #tpu.memory_space<vmem>>, vector<16xi32>,
    tpu.vector_store %arg12[%swap3A], %gather3A {strides = array<i32>} : memref<64xi32, #tpu.memory_space<vmem>>, vector<16xi32>,
    %get3A_14 = arith.constant 16 : index
    %get3A_15 = tpu.vector_load %arg10[%get3A_14] {strides = array<i32>} : memref<1600xi32, #tpu.memory_space<vmem>>, vector<16xi32>,
    %add3A_16 = arith.constant 0 : i32
    %add3A_17 = vector.broadcast %add3A_16 : i32 to vector<16xi32>
    %add3A_18 = arith.addi %get3A_15, %add3A_17 : vector<16xi32>
    %get3A_19 = arith.constant 16 : index
    %get3A_20 = tpu.vector_load %arg11[%get3A_19] {strides = array<i32>} : memref<1600xi32, #tpu.memory_space<vmem>>, vector<16xi32>,
    %gather3A_21 = tpu.vector_load_idx %arg9[%add3A_18, %get3A_20] : memref<512x100xi32, #tpu.memory_space<vmem>>[vector<16xi32>, vector<16xi32>], vector<16xi32>,
    %swap3A_22 = arith.constant 16 : index
    %swap3A_23 = tpu.vector_load %arg12[%swap3A_22] {strides = array<i32>} : memref<64xi32, #tpu.memory_space<vmem>>, vector<16xi32>,
    tpu.vector_store %arg12[%swap3A_22], %gather3A_21 {strides = array<i32>} : memref<64xi32, #tpu.memory_space<vmem>>, vector<16xi32>,
    %get3A_24 = arith.constant 32 : index
    %get3A_25 = tpu.vector_load %arg10[%get3A_24] {strides = array<i32>} : memref<1600xi32, #tpu.memory_space<vmem>>, vector<16xi32>,
    %add3A_26 = arith.constant 0 : i32
    %add3A_27 = vector.broadcast %add3A_26 : i32 to vector<16xi32>
    %add3A_28 = arith.addi %get3A_25, %add3A_27 : vector<16xi32>
    %get3A_29 = arith.constant 32 : index
    %get3A_30 = tpu.vector_load %arg11[%get3A_29] {strides = array<i32>} : memref<1600xi32, #tpu.memory_space<vmem>>, vector<16xi32>,
    %gather3A_31 = tpu.vector_load_idx %arg9[%add3A_28, %get3A_30] : memref<512x100xi32, #tpu.memory_space<vmem>>[vector<16xi32>, vector<16xi32>], vector<16xi32>,
    %swap3A_32 = arith.constant 32 : index
    %swap3A_33 = tpu.vector_load %arg12[%swap3A_32] {strides = array<i32>} : memref<64xi32, #tpu.memory_space<vmem>>, vector<16xi32>,
    tpu.vector_store %arg12[%swap3A_32], %gather3A_31 {strides = array<i32>} : memref<64xi32, #tpu.memory_space<vmem>>, vector<16xi32>,
    %get3A_34 = arith.constant 48 : index
    %get3A_35 = tpu.vector_load %arg10[%get3A_34] {strides = array<i32>} : memref<1600xi32, #tpu.memory_space<vmem>>, vector<16xi32>,
    %add3A_36 = arith.constant 0 : i32
    %add3A_37 = vector.broadcast %add3A_36 : i32 to vector<16xi32>
    %add3A_38 = arith.addi %get3A_35, %add3A_37 : vector<16xi32>
    %get3A_39 = arith.constant 48 : index
    %get3A_40 = tpu.vector_load %arg11[%get3A_39] {strides = array<i32>} : memref<1600xi32, #tpu.memory_space<vmem>>, vector<16xi32>,
    %gather3A_41 = tpu.vector_load_idx %arg9[%add3A_38, %get3A_40] : memref<512x100xi32, #tpu.memory_space<vmem>>[vector<16xi32>, vector<16xi32>], vector<16xi32>,
    %swap3A_42 = arith.constant 48 : index
    %swap3A_43 = tpu.vector_load %arg12[%swap3A_42] {strides = array<i32>} : memref<64xi32, #tpu.memory_space<vmem>>, vector<16xi32>,
    tpu.vector_store %arg12[%swap3A_42], %gather3A_41 {strides = array<i32>} : memref<64xi32, #tpu.memory_space<vmem>>, vector<16xi32>,
    %dma_start3A = arith.constant 0 : i32
    %dma_start3A_44 = arith.constant 0 : i32
    %dma_start3A_45 = tpu.memref_slice %arg8[%dma_start3A, %dma_start3A_44] : memref<256x128xf32, #tpu.memory_space<vmem_shared>> -> memref<256x128xf32, #tpu.memory_space<vmem_shared>>
    tpu.enqueue_indirect_dma source(%dma_start3A_45 : memref<256x128xf32, #tpu.memory_space<vmem_shared>>) target(%arg17 : memref<64x128xf32, #tpu.memory_space<vmem>>) offsets(%arg12 : memref<64xi32, #tpu.memory_space<vmem>>) semaphore(%arg22 : memref<!tpu.dma_semaphore, #tpu.memory_space<semaphore_mem>>)
    %get3A_46 = arith.constant 64 : index
    %get3A_47 = tpu.vector_load %arg10[%get3A_46] {strides = array<i32>} : memref<1600xi32, #tpu.memory_space<vmem>>, vector<16xi32>,
    %add3A_48 = arith.constant 0 : i32
    %add3A_49 = vector.broadcast %add3A_48 : i32 to vector<16xi32>
    %add3A_50 = arith.addi %get3A_47, %add3A_49 : vector<16xi32>
    %get3A_51 = arith.constant 64 : index
    %get3A_52 = tpu.vector_load %arg11[%get3A_51] {strides = array<i32>} : memref<1600xi32, #tpu.memory_space<vmem>>, vector<16xi32>,
    %gather3A_53 = tpu.vector_load_idx %arg9[%add3A_50, %get3A_52] : memref<512x100xi32, #tpu.memory_space<vmem>>[vector<16xi32>, vector<16xi32>], vector<16xi32>,
    %swap3A_54 = arith.constant 0 : index
    %swap3A_55 = tpu.vector_load %arg13[%swap3A_54] {strides = array<i32>} : memref<64xi32, #tpu.memory_space<vmem>>, vector<16xi32>,
    tpu.vector_store %arg13[%swap3A_54], %gather3A_53 {strides = array<i32>} : memref<64xi32, #tpu.memory_space<vmem>>, vector<16xi32>,
    %get3A_56 = arith.constant 80 : index
    %get3A_57 = tpu.vector_load %arg10[%get3A_56] {strides = array<i32>} : memref<1600xi32, #tpu.memory_space<vmem>>, vector<16xi32>,
    %add3A_58 = arith.constant 0 : i32
    %add3A_59 = vector.broadcast %add3A_58 : i32 to vector<16xi32>
    %add3A_60 = arith.addi %get3A_57, %add3A_59 : vector<16xi32>
    %get3A_61 = arith.constant 80 : index
    %get3A_62 = tpu.vector_load %arg11[%get3A_61] {strides = array<i32>} : memref<1600xi32, #tpu.memory_space<vmem>>, vector<16xi32>,
    %gather3A_63 = tpu.vector_load_idx %arg9[%add3A_60, %get3A_62] : memref<512x100xi32, #tpu.memory_space<vmem>>[vector<16xi32>, vector<16xi32>], vector<16xi32>,
    %swap3A_64 = arith.constant 16 : index
    %swap3A_65 = tpu.vector_load %arg13[%swap3A_64] {strides = array<i32>} : memref<64xi32, #tpu.memory_space<vmem>>, vector<16xi32>,
    tpu.vector_store %arg13[%swap3A_64], %gather3A_63 {strides = array<i32>} : memref<64xi32, #tpu.memory_space<vmem>>, vector<16xi32>,
    %get3A_66 = arith.constant 96 : index
    %get3A_67 = tpu.vector_load %arg10[%get3A_66] {strides = array<i32>} : memref<1600xi32, #tpu.memory_space<vmem>>, vector<16xi32>,
    %add3A_68 = arith.constant 0 : i32
    %add3A_69 = vector.broadcast %add3A_68 : i32 to vector<16xi32>
    %add3A_70 = arith.addi %get3A_67, %add3A_69 : vector<16xi32>
    %get3A_71 = arith.constant 96 : index
    %get3A_72 = tpu.vector_load %arg11[%get3A_71] {strides = array<i32>} : memref<1600xi32, #tpu.memory_space<vmem>>, vector<16xi32>,
    %gather3A_73 = tpu.vector_load_idx %arg9[%add3A_70, %get3A_72] : memref<512x100xi32, #tpu.memory_space<vmem>>[vector<16xi32>, vector<16xi32>], vector<16xi32>,
    %swap3A_74 = arith.constant 32 : index
    %swap3A_75 = tpu.vector_load %arg13[%swap3A_74] {strides = array<i32>} : memref<64xi32, #tpu.memory_space<vmem>>, vector<16xi32>,
    tpu.vector_store %arg13[%swap3A_74], %gather3A_73 {strides = array<i32>} : memref<64xi32, #tpu.memory_space<vmem>>, vector<16xi32>,
    %get3A_76 = arith.constant 112 : index
    %get3A_77 = tpu.vector_load %arg10[%get3A_76] {strides = array<i32>} : memref<1600xi32, #tpu.memory_space<vmem>>, vector<16xi32>,
    %add3A_78 = arith.constant 0 : i32
    %add3A_79 = vector.broadcast %add3A_78 : i32 to vector<16xi32>
    %add3A_80 = arith.addi %get3A_77, %add3A_79 : vector<16xi32>
    %get3A_81 = arith.constant 112 : index
    %get3A_82 = tpu.vector_load %arg11[%get3A_81] {strides = array<i32>} : memref<1600xi32, #tpu.memory_space<vmem>>, vector<16xi32>,
    %gather3A_83 = tpu.vector_load_idx %arg9[%add3A_80, %get3A_82] : memref<512x100xi32, #tpu.memory_space<vmem>>[vector<16xi32>, vector<16xi32>], vector<16xi32>,
    %swap3A_84 = arith.constant 48 : index
    %swap3A_85 = tpu.vector_load %arg13[%swap3A_84] {strides = array<i32>} : memref<64xi32, #tpu.memory_space<vmem>>, vector<16xi32>,
    tpu.vector_store %arg13[%swap3A_84], %gather3A_83 {strides = array<i32>} : memref<64xi32, #tpu.memory_space<vmem>>, vector<16xi32>,
    %dma_start3A_86 = arith.constant 0 : i32
    %dma_start3A_87 = arith.constant 0 : i32
    %dma_start3A_88 = tpu.memref_slice %arg8[%dma_start3A_86, %dma_start3A_87] : memref<256x128xf32, #tpu.memory_space<vmem_shared>> -> memref<256x128xf32, #tpu.memory_space<vmem_shared>>
    tpu.enqueue_indirect_dma source(%dma_start3A_88 : memref<256x128xf32, #tpu.memory_space<vmem_shared>>) target(%arg18 : memref<64x128xf32, #tpu.memory_space<vmem>>) offsets(%arg13 : memref<64xi32, #tpu.memory_space<vmem>>) semaphore(%arg23 : memref<!tpu.dma_semaphore, #tpu.memory_space<semaphore_mem>>)
    %get3A_89 = arith.constant 128 : index
    %get3A_90 = tpu.vector_load %arg10[%get3A_89] {strides = array<i32>} : memref<1600xi32, #tpu.memory_space<vmem>>, vector<16xi32>,
    %add3A_91 = arith.constant 0 : i32
    %add3A_92 = vector.broadcast %add3A_91 : i32 to vector<16xi32>
    %add3A_93 = arith.addi %get3A_90, %add3A_92 : vector<16xi32>
    %get3A_94 = arith.constant 128 : index
    %get3A_95 = tpu.vector_load %arg11[%get3A_94] {strides = array<i32>} : memref<1600xi32, #tpu.memory_space<vmem>>, vector<16xi32>,
    %gather3A_96 = tpu.vector_load_idx %arg9[%add3A_93, %get3A_95] : memref<512x100xi32, #tpu.memory_space<vmem>>[vector<16xi32>, vector<16xi32>], vector<16xi32>,
    %swap3A_97 = arith.constant 0 : index
    %swap3A_98 = tpu.vector_load %arg14[%swap3A_97] {strides = array<i32>} : memref<64xi32, #tpu.memory_space<vmem>>, vector<16xi32>,
    tpu.vector_store %arg14[%swap3A_97], %gather3A_96 {strides = array<i32>} : memref<64xi32, #tpu.memory_space<vmem>>, vector<16xi32>,
    %get3A_99 = arith.constant 144 : index
    %get3A_100 = tpu.vector_load %arg10[%get3A_99] {strides = array<i32>} : memref<1600xi32, #tpu.memory_space<vmem>>, vector<16xi32>,
    %add3A_101 = arith.constant 0 : i32
    %add3A_102 = vector.broadcast %add3A_101 : i32 to vector<16xi32>
    %add3A_103 = arith.addi %get3A_100, %add3A_102 : vector<16xi32>
    %get3A_104 = arith.constant 144 : index
    %get3A_105 = tpu.vector_load %arg11[%get3A_104] {strides = array<i32>} : memref<1600xi32, #tpu.memory_space<vmem>>, vector<16xi32>,
    %gather3A_106 = tpu.vector_load_idx %arg9[%add3A_103, %get3A_105] : memref<512x100xi32, #tpu.memory_space<vmem>>[vector<16xi32>, vector<16xi32>], vector<16xi32>,
    %swap3A_107 = arith.constant 16 : index
    %swap3A_108 = tpu.vector_load %arg14[%swap3A_107] {strides = array<i32>} : memref<64xi32, #tpu.memory_space<vmem>>, vector<16xi32>,
    tpu.vector_store %arg14[%swap3A_107], %gather3A_106 {strides = array<i32>} : memref<64xi32, #tpu.memory_space<vmem>>, vector<16xi32>,
    %get3A_109 = arith.constant 160 : index
    %get3A_110 = tpu.vector_load %arg10[%get3A_109] {strides = array<i32>} : memref<1600xi32, #tpu.memory_space<vmem>>, vector<16xi32>,
    %add3A_111 = arith.constant 0 : i32
    %add3A_112 = vector.broadcast %add3A_111 : i32 to vector<16xi32>
    %add3A_113 = arith.addi %get3A_110, %add3A_112 : vector<16xi32>
    %get3A_114 = arith.constant 160 : index
    %get3A_115 = tpu.vector_load %arg11[%get3A_114] {strides = array<i32>} : memref<1600xi32, #tpu.memory_space<vmem>>, vector<16xi32>,
    %gather3A_116 = tpu.vector_load_idx %arg9[%add3A_113, %get3A_115] : memref<512x100xi32, #tpu.memory_space<vmem>>[vector<16xi32>, vector<16xi32>], vector<16xi32>,
    %swap3A_117 = arith.constant 32 : index
    %swap3A_118 = tpu.vector_load %arg14[%swap3A_117] {strides = array<i32>} : memref<64xi32, #tpu.memory_space<vmem>>, vector<16xi32>,
    tpu.vector_store %arg14[%swap3A_117], %gather3A_116 {strides = array<i32>} : memref<64xi32, #tpu.memory_space<vmem>>, vector<16xi32>,
    %get3A_119 = arith.constant 176 : index
    %get3A_120 = tpu.vector_load %arg10[%get3A_119] {strides = array<i32>} : memref<1600xi32, #tpu.memory_space<vmem>>, vector<16xi32>,
    %add3A_121 = arith.constant 0 : i32
    %add3A_122 = vector.broadcast %add3A_121 : i32 to vector<16xi32>
    %add3A_123 = arith.addi %get3A_120, %add3A_122 : vector<16xi32>
    %get3A_124 = arith.constant 176 : index
    %get3A_125 = tpu.vector_load %arg11[%get3A_124] {strides = array<i32>} : memref<1600xi32, #tpu.memory_space<vmem>>, vector<16xi32>,
    %gather3A_126 = tpu.vector_load_idx %arg9[%add3A_123, %get3A_125] : memref<512x100xi32, #tpu.memory_space<vmem>>[vector<16xi32>, vector<16xi32>], vector<16xi32>,
    %swap3A_127 = arith.constant 48 : index
    %swap3A_128 = tpu.vector_load %arg14[%swap3A_127] {strides = array<i32>} : memref<64xi32, #tpu.memory_space<vmem>>, vector<16xi32>,
    tpu.vector_store %arg14[%swap3A_127], %gather3A_126 {strides = array<i32>} : memref<64xi32, #tpu.memory_space<vmem>>, vector<16xi32>,
    %dma_start3A_129 = arith.constant 0 : i32
    %dma_start3A_130 = arith.constant 0 : i32
    %dma_start3A_131 = tpu.memref_slice %arg8[%dma_start3A_129, %dma_start3A_130] : memref<256x128xf32, #tpu.memory_space<vmem_shared>> -> memref<256x128xf32, #tpu.memory_space<vmem_shared>>
    tpu.enqueue_indirect_dma source(%dma_start3A_131 : memref<256x128xf32, #tpu.memory_space<vmem_shared>>) target(%arg19 : memref<64x128xf32, #tpu.memory_space<vmem>>) offsets(%arg14 : memref<64xi32, #tpu.memory_space<vmem>>) semaphore(%arg24 : memref<!tpu.dma_semaphore, #tpu.memory_space<semaphore_mem>>)
    %get3A_132 = arith.constant 192 : index
    %get3A_133 = tpu.vector_load %arg10[%get3A_132] {strides = array<i32>} : memref<1600xi32, #tpu.memory_space<vmem>>, vector<16xi32>,
    %add3A_134 = arith.constant 0 : i32
    %add3A_135 = vector.broadcast %add3A_134 : i32 to vector<16xi32>
    %add3A_136 = arith.addi %get3A_133, %add3A_135 : vector<16xi32>
    %get3A_137 = arith.constant 192 : index
    %get3A_138 = tpu.vector_load %arg11[%get3A_137] {strides = array<i32>} : memref<1600xi32, #tpu.memory_space<vmem>>, vector<16xi32>,
    %gather3A_139 = tpu.vector_load_idx %arg9[%add3A_136, %get3A_138] : memref<512x100xi32, #tpu.memory_space<vmem>>[vector<16xi32>, vector<16xi32>], vector<16xi32>,
    %swap3A_140 = arith.constant 0 : index
    %swap3A_141 = tpu.vector_load %arg15[%swap3A_140] {strides = array<i32>} : memref<64xi32, #tpu.memory_space<vmem>>, vector<16xi32>,
    tpu.vector_store %arg15[%swap3A_140], %gather3A_139 {strides = array<i32>} : memref<64xi32, #tpu.memory_space<vmem>>, vector<16xi32>,
    %get3A_142 = arith.constant 208 : index
    %get3A_143 = tpu.vector_load %arg10[%get3A_142] {strides = array<i32>} : memref<1600xi32, #tpu.memory_space<vmem>>, vector<16xi32>,
    %add3A_144 = arith.constant 0 : i32
    %add3A_145 = vector.broadcast %add3A_144 : i32 to vector<16xi32>
    %add3A_146 = arith.addi %get3A_143, %add3A_145 : vector<16xi32>
    %get3A_147 = arith.constant 208 : index
    %get3A_148 = tpu.vector_load %arg11[%get3A_147] {strides = array<i32>} : memref<1600xi32, #tpu.memory_space<vmem>>, vector<16xi32>,
    %gather3A_149 = tpu.vector_load_idx %arg9[%add3A_146, %get3A_148] : memref<512x100xi32, #tpu.memory_space<vmem>>[vector<16xi32>, vector<16xi32>], vector<16xi32>,
    %swap3A_150 = arith.constant 16 : index
    %swap3A_151 = tpu.vector_load %arg15[%swap3A_150] {strides = array<i32>} : memref<64xi32, #tpu.memory_space<vmem>>, vector<16xi32>,
    tpu.vector_store %arg15[%swap3A_150], %gather3A_149 {strides = array<i32>} : memref<64xi32, #tpu.memory_space<vmem>>, vector<16xi32>,
    %get3A_152 = arith.constant 224 : index
    %get3A_153 = tpu.vector_load %arg10[%get3A_152] {strides = array<i32>} : memref<1600xi32, #tpu.memory_space<vmem>>, vector<16xi32>,
    %add3A_154 = arith.constant 0 : i32
    %add3A_155 = vector.broadcast %add3A_154 : i32 to vector<16xi32>
    %add3A_156 = arith.addi %get3A_153, %add3A_155 : vector<16xi32>
    %get3A_157 = arith.constant 224 : index
    %get3A_158 = tpu.vector_load %arg11[%get3A_157] {strides = array<i32>} : memref<1600xi32, #tpu.memory_space<vmem>>, vector<16xi32>,
    %gather3A_159 = tpu.vector_load_idx %arg9[%add3A_156, %get3A_158] : memref<512x100xi32, #tpu.memory_space<vmem>>[vector<16xi32>, vector<16xi32>], vector<16xi32>,
    %swap3A_160 = arith.constant 32 : index
    %swap3A_161 = tpu.vector_load %arg15[%swap3A_160] {strides = array<i32>} : memref<64xi32, #tpu.memory_space<vmem>>, vector<16xi32>,
    tpu.vector_store %arg15[%swap3A_160], %gather3A_159 {strides = array<i32>} : memref<64xi32, #tpu.memory_space<vmem>>, vector<16xi32>,
    %get3A_162 = arith.constant 240 : index
    %get3A_163 = tpu.vector_load %arg10[%get3A_162] {strides = array<i32>} : memref<1600xi32, #tpu.memory_space<vmem>>, vector<16xi32>,
    %add3A_164 = arith.constant 0 : i32
    %add3A_165 = vector.broadcast %add3A_164 : i32 to vector<16xi32>
    %add3A_166 = arith.addi %get3A_163, %add3A_165 : vector<16xi32>
    %get3A_167 = arith.constant 240 : index
    %get3A_168 = tpu.vector_load %arg11[%get3A_167] {strides = array<i32>} : memref<1600xi32, #tpu.memory_space<vmem>>, vector<16xi32>,
    %gather3A_169 = tpu.vector_load_idx %arg9[%add3A_166, %get3A_168] : memref<512x100xi32, #tpu.memory_space<vmem>>[vector<16xi32>, vector<16xi32>], vector<16xi32>,
    %swap3A_170 = arith.constant 48 : index
    %swap3A_171 = tpu.vector_load %arg15[%swap3A_170] {strides = array<i32>} : memref<64xi32, #tpu.memory_space<vmem>>, vector<16xi32>,
    tpu.vector_store %arg15[%swap3A_170], %gather3A_169 {strides = array<i32>} : memref<64xi32, #tpu.memory_space<vmem>>, vector<16xi32>,
    %dma_start3A_172 = arith.constant 0 : i32
    %dma_start3A_173 = arith.constant 0 : i32
    %dma_start3A_174 = tpu.memref_slice %arg8[%dma_start3A_172, %dma_start3A_173] : memref<256x128xf32, #tpu.memory_space<vmem_shared>> -> memref<256x128xf32, #tpu.memory_space<vmem_shared>>
    tpu.enqueue_indirect_dma source(%dma_start3A_174 : memref<256x128xf32, #tpu.memory_space<vmem_shared>>) target(%arg20 : memref<64x128xf32, #tpu.memory_space<vmem>>) offsets(%arg15 : memref<64xi32, #tpu.memory_space<vmem>>) semaphore(%arg25 : memref<!tpu.dma_semaphore, #tpu.memory_space<semaphore_mem>>)
    %get3A_175 = arith.constant 256 : index
    %get3A_176 = tpu.vector_load %arg10[%get3A_175] {strides = array<i32>} : memref<1600xi32, #tpu.memory_space<vmem>>, vector<16xi32>,
    %add3A_177 = arith.constant 0 : i32
    %add3A_178 = vector.broadcast %add3A_177 : i32 to vector<16xi32>
    %add3A_179 = arith.addi %get3A_176, %add3A_178 : vector<16xi32>
    %get3A_180 = arith.constant 256 : index
    %get3A_181 = tpu.vector_load %arg11[%get3A_180] {strides = array<i32>} : memref<1600xi32, #tpu.memory_space<vmem>>, vector<16xi32>,
    %gather3A_182 = tpu.vector_load_idx %arg9[%add3A_179, %get3A_181] : memref<512x100xi32, #tpu.memory_space<vmem>>[vector<16xi32>, vector<16xi32>], vector<16xi32>,
    %swap3A_183 = arith.constant 0 : index
    %swap3A_184 = tpu.vector_load %arg16[%swap3A_183] {strides = array<i32>} : memref<64xi32, #tpu.memory_space<vmem>>, vector<16xi32>,
    tpu.vector_store %arg16[%swap3A_183], %gather3A_182 {strides = array<i32>} : memref<64xi32, #tpu.memory_space<vmem>>, vector<16xi32>,
    %get3A_185 = arith.constant 272 : index
    %get3A_186 = tpu.vector_load %arg10[%get3A_185] {strides = array<i32>} : memref<1600xi32, #tpu.memory_space<vmem>>, vector<16xi32>,
    %add3A_187 = arith.constant 0 : i32
    %add3A_188 = vector.broadcast %add3A_187 : i32 to vector<16xi32>
    %add3A_189 = arith.addi %get3A_186, %add3A_188 : vector<16xi32>
    %get3A_190 = arith.constant 272 : index
    %get3A_191 = tpu.vector_load %arg11[%get3A_190] {strides = array<i32>} : memref<1600xi32, #tpu.memory_space<vmem>>, vector<16xi32>,
    %gather3A_192 = tpu.vector_load_idx %arg9[%add3A_189, %get3A_191] : memref<512x100xi32, #tpu.memory_space<vmem>>[vector<16xi32>, vector<16xi32>], vector<16xi32>,
    %swap3A_193 = arith.constant 16 : index
    %swap3A_194 = tpu.vector_load %arg16[%swap3A_193] {strides = array<i32>} : memref<64xi32, #tpu.memory_space<vmem>>, vector<16xi32>,
    tpu.vector_store %arg16[%swap3A_193], %gather3A_192 {strides = array<i32>} : memref<64xi32, #tpu.memory_space<vmem>>, vector<16xi32>,
    %get3A_195 = arith.constant 288 : index
    %get3A_196 = tpu.vector_load %arg10[%get3A_195] {strides = array<i32>} : memref<1600xi32, #tpu.memory_space<vmem>>, vector<16xi32>,
    %add3A_197 = arith.constant 0 : i32
    %add3A_198 = vector.broadcast %add3A_197 : i32 to vector<16xi32>
    %add3A_199 = arith.addi %get3A_196, %add3A_198 : vector<16xi32>
    %get3A_200 = arith.constant 288 : index
    %get3A_201 = tpu.vector_load %arg11[%get3A_200] {strides = array<i32>} : memref<1600xi32, #tpu.memory_space<vmem>>, vector<16xi32>,
    %gather3A_202 = tpu.vector_load_idx %arg9[%add3A_199, %get3A_201] : memref<512x100xi32, #tpu.memory_space<vmem>>[vector<16xi32>, vector<16xi32>], vector<16xi32>,
    %swap3A_203 = arith.constant 32 : index
    %swap3A_204 = tpu.vector_load %arg16[%swap3A_203] {strides = array<i32>} : memref<64xi32, #tpu.memory_space<vmem>>, vector<16xi32>,
    tpu.vector_store %arg16[%swap3A_203], %gather3A_202 {strides = array<i32>} : memref<64xi32, #tpu.memory_space<vmem>>, vector<16xi32>,
    %get3A_205 = arith.constant 304 : index
    %get3A_206 = tpu.vector_load %arg10[%get3A_205] {strides = array<i32>} : memref<1600xi32, #tpu.memory_space<vmem>>, vector<16xi32>,
    %add3A_207 = arith.constant 0 : i32
    %add3A_208 = vector.broadcast %add3A_207 : i32 to vector<16xi32>
    %add3A_209 = arith.addi %get3A_206, %add3A_208 : vector<16xi32>
    %get3A_210 = arith.constant 304 : index
    %get3A_211 = tpu.vector_load %arg11[%get3A_210] {strides = array<i32>} : memref<1600xi32, #tpu.memory_space<vmem>>, vector<16xi32>,
    %gather3A_212 = tpu.vector_load_idx %arg9[%add3A_209, %get3A_211] : memref<512x100xi32, #tpu.memory_space<vmem>>[vector<16xi32>, vector<16xi32>], vector<16xi32>,
    %swap3A_213 = arith.constant 48 : index
    %swap3A_214 = tpu.vector_load %arg16[%swap3A_213] {strides = array<i32>} : memref<64xi32, #tpu.memory_space<vmem>>, vector<16xi32>,
    tpu.vector_store %arg16[%swap3A_213], %gather3A_212 {strides = array<i32>} : memref<64xi32, #tpu.memory_space<vmem>>, vector<16xi32>,
    %dma_start3A_215 = arith.constant 0 : i32
    %dma_start3A_216 = arith.constant 0 : i32
    %dma_start3A_217 = tpu.memref_slice %arg8[%dma_start3A_215, %dma_start3A_216] : memref<256x128xf32, #tpu.memory_space<vmem_shared>> -> memref<256x128xf32, #tpu.memory_space<vmem_shared>>
    tpu.enqueue_indirect_dma source(%dma_start3A_217 : memref<256x128xf32, #tpu.memory_space<vmem_shared>>) target(%arg21 : memref<64x128xf32, #tpu.memory_space<vmem>>) offsets(%arg16 : memref<64xi32, #tpu.memory_space<vmem>>) semaphore(%arg26 : memref<!tpu.dma_semaphore, #tpu.memory_space<semaphore_mem>>)
    %scan3A = arith.constant 0 : i32
    %scan3A_218 = arith.constant 0 : i32
    %scan3A_219 = arith.constant 159 : i32
    %scan3A_220 = arith.addi %scan3A_218, %scan3A_219 : i32
    %scan3A_221 = arith.constant 1 : i32
    scf.for %scan3A_312 = %scan3A_218 to %scan3A_220 step %scan3A_221  : i32 {
      %dma_wait3A_313 = arith.constant 0 : i32
      %dma_wait3A_314 = arith.constant 0 : i32
      %dma_wait3A_315 = tpu.memref_slice %arg7[%dma_wait3A_313, %dma_wait3A_314] : memref<1638400x128xf32, #tpu.memory_space<hbm>> -> memref<64x128xf32, #tpu.memory_space<hbm>>
      %dma_wait3A_316 = arith.constant 0 : i32
      %dma_wait3A_317 = arith.constant 0 : i32
      %dma_wait3A_318 = tpu.memref_slice %arg7[%dma_wait3A_316, %dma_wait3A_317] : memref<1638400x128xf32, #tpu.memory_space<hbm>> -> memref<64x128xf32, #tpu.memory_space<hbm>>
      tpu.wait_dma2 semaphore(%arg22 : memref<!tpu.dma_semaphore, #tpu.memory_space<semaphore_mem>>) src(%dma_wait3A_318 : memref<64x128xf32, #tpu.memory_space<hbm>>) dst(%arg17 : memref<64x128xf32, #tpu.memory_space<vmem>>)
      %mul3A_319 = arith.constant 5 : i32
      %mul3A_320 = arith.muli %scan3A_312, %mul3A_319 : i32
      %add3A_321 = arith.constant 0 : i32
      %add3A_322 = arith.addi %mul3A_320, %add3A_321 : i32
      %mul3A_323 = arith.constant 64 : i32
      %mul3A_324 = arith.muli %add3A_322, %mul3A_323 : i32
      %add3A_325 = arith.addi %mul3A_2, %mul3A_324 : i32
      %dma_start3A_326 = arith.constant 0 : i32
      %dma_start3A_327 = tpu.memref_slice %arg7[%add3A_325, %dma_start3A_326] : memref<1638400x128xf32, #tpu.memory_space<hbm>> -> memref<64x128xf32, #tpu.memory_space<hbm>>
      %dma_start3A_328 = arith.constant 0 : i32
      %dma_start3A_329 = tpu.memref_slice %arg7[%add3A_325, %dma_start3A_328] : memref<1638400x128xf32, #tpu.memory_space<hbm>> -> memref<64x128xf32, #tpu.memory_space<hbm>>
      tpu.enqueue_dma source(%arg17 : memref<64x128xf32, #tpu.memory_space<vmem>>) target(%dma_start3A_329 : memref<64x128xf32, #tpu.memory_space<hbm>>) target_semaphore(%arg27 : memref<!tpu.dma_semaphore, #tpu.memory_space<semaphore_mem>>)
      %dma_wait3A_330 = arith.constant 0 : i32
      %dma_wait3A_331 = arith.constant 0 : i32
      %dma_wait3A_332 = tpu.memref_slice %arg7[%dma_wait3A_330, %dma_wait3A_331] : memref<1638400x128xf32, #tpu.memory_space<hbm>> -> memref<64x128xf32, #tpu.memory_space<hbm>>
      %dma_wait3A_333 = arith.constant 0 : i32
      %dma_wait3A_334 = arith.constant 0 : i32
      %dma_wait3A_335 = tpu.memref_slice %arg7[%dma_wait3A_333, %dma_wait3A_334] : memref<1638400x128xf32, #tpu.memory_space<hbm>> -> memref<64x128xf32, #tpu.memory_space<hbm>>
      tpu.wait_dma2 semaphore(%arg23 : memref<!tpu.dma_semaphore, #tpu.memory_space<semaphore_mem>>) src(%dma_wait3A_335 : memref<64x128xf32, #tpu.memory_space<hbm>>) dst(%arg18 : memref<64x128xf32, #tpu.memory_space<vmem>>)
      %mul3A_336 = arith.constant 5 : i32
      %mul3A_337 = arith.muli %scan3A_312, %mul3A_336 : i32
      %add3A_338 = arith.constant 1 : i32
      %add3A_339 = arith.addi %mul3A_337, %add3A_338 : i32
      %mul3A_340 = arith.constant 64 : i32
      %mul3A_341 = arith.muli %add3A_339, %mul3A_340 : i32
      %add3A_342 = arith.addi %mul3A_2, %mul3A_341 : i32
      %dma_start3A_343 = arith.constant 0 : i32
      %dma_start3A_344 = tpu.memref_slice %arg7[%add3A_342, %dma_start3A_343] : memref<1638400x128xf32, #tpu.memory_space<hbm>> -> memref<64x128xf32, #tpu.memory_space<hbm>>
      %dma_start3A_345 = arith.constant 0 : i32
      %dma_start3A_346 = tpu.memref_slice %arg7[%add3A_342, %dma_start3A_345] : memref<1638400x128xf32, #tpu.memory_space<hbm>> -> memref<64x128xf32, #tpu.memory_space<hbm>>
      tpu.enqueue_dma source(%arg18 : memref<64x128xf32, #tpu.memory_space<vmem>>) target(%dma_start3A_346 : memref<64x128xf32, #tpu.memory_space<hbm>>) target_semaphore(%arg28 : memref<!tpu.dma_semaphore, #tpu.memory_space<semaphore_mem>>)
      %dma_wait3A_347 = arith.constant 0 : i32
      %dma_wait3A_348 = arith.constant 0 : i32
      %dma_wait3A_349 = tpu.memref_slice %arg7[%dma_wait3A_347, %dma_wait3A_348] : memref<1638400x128xf32, #tpu.memory_space<hbm>> -> memref<64x128xf32, #tpu.memory_space<hbm>>
      %dma_wait3A_350 = arith.constant 0 : i32
      %dma_wait3A_351 = arith.constant 0 : i32
      %dma_wait3A_352 = tpu.memref_slice %arg7[%dma_wait3A_350, %dma_wait3A_351] : memref<1638400x128xf32, #tpu.memory_space<hbm>> -> memref<64x128xf32, #tpu.memory_space<hbm>>
      tpu.wait_dma2 semaphore(%arg24 : memref<!tpu.dma_semaphore, #tpu.memory_space<semaphore_mem>>) src(%dma_wait3A_352 : memref<64x128xf32, #tpu.memory_space<hbm>>) dst(%arg19 : memref<64x128xf32, #tpu.memory_space<vmem>>)
      %mul3A_353 = arith.constant 5 : i32
      %mul3A_354 = arith.muli %scan3A_312, %mul3A_353 : i32
      %add3A_355 = arith.constant 2 : i32
      %add3A_356 = arith.addi %mul3A_354, %add3A_355 : i32
      %mul3A_357 = arith.constant 64 : i32
      %mul3A_358 = arith.muli %add3A_356, %mul3A_357 : i32
      %add3A_359 = arith.addi %mul3A_2, %mul3A_358 : i32
      %dma_start3A_360 = arith.constant 0 : i32
      %dma_start3A_361 = tpu.memref_slice %arg7[%add3A_359, %dma_start3A_360] : memref<1638400x128xf32, #tpu.memory_space<hbm>> -> memref<64x128xf32, #tpu.memory_space<hbm>>
      %dma_start3A_362 = arith.constant 0 : i32
      %dma_start3A_363 = tpu.memref_slice %arg7[%add3A_359, %dma_start3A_362] : memref<1638400x128xf32, #tpu.memory_space<hbm>> -> memref<64x128xf32, #tpu.memory_space<hbm>>
      tpu.enqueue_dma source(%arg19 : memref<64x128xf32, #tpu.memory_space<vmem>>) target(%dma_start3A_363 : memref<64x128xf32, #tpu.memory_space<hbm>>) target_semaphore(%arg29 : memref<!tpu.dma_semaphore, #tpu.memory_space<semaphore_mem>>)
      %dma_wait3A_364 = arith.constant 0 : i32
      %dma_wait3A_365 = arith.constant 0 : i32
      %dma_wait3A_366 = tpu.memref_slice %arg7[%dma_wait3A_364, %dma_wait3A_365] : memref<1638400x128xf32, #tpu.memory_space<hbm>> -> memref<64x128xf32, #tpu.memory_space<hbm>>
      %dma_wait3A_367 = arith.constant 0 : i32
      %dma_wait3A_368 = arith.constant 0 : i32
      %dma_wait3A_369 = tpu.memref_slice %arg7[%dma_wait3A_367, %dma_wait3A_368] : memref<1638400x128xf32, #tpu.memory_space<hbm>> -> memref<64x128xf32, #tpu.memory_space<hbm>>
      tpu.wait_dma2 semaphore(%arg25 : memref<!tpu.dma_semaphore, #tpu.memory_space<semaphore_mem>>) src(%dma_wait3A_369 : memref<64x128xf32, #tpu.memory_space<hbm>>) dst(%arg20 : memref<64x128xf32, #tpu.memory_space<vmem>>)
      %mul3A_370 = arith.constant 5 : i32
      %mul3A_371 = arith.muli %scan3A_312, %mul3A_370 : i32
      %add3A_372 = arith.constant 3 : i32
      %add3A_373 = arith.addi %mul3A_371, %add3A_372 : i32
      %mul3A_374 = arith.constant 64 : i32
      %mul3A_375 = arith.muli %add3A_373, %mul3A_374 : i32
      %add3A_376 = arith.addi %mul3A_2, %mul3A_375 : i32
      %dma_start3A_377 = arith.constant 0 : i32
      %dma_start3A_378 = tpu.memref_slice %arg7[%add3A_376, %dma_start3A_377] : memref<1638400x128xf32, #tpu.memory_space<hbm>> -> memref<64x128xf32, #tpu.memory_space<hbm>>
      %dma_start3A_379 = arith.constant 0 : i32
      %dma_start3A_380 = tpu.memref_slice %arg7[%add3A_376, %dma_start3A_379] : memref<1638400x128xf32, #tpu.memory_space<hbm>> -> memref<64x128xf32, #tpu.memory_space<hbm>>
      tpu.enqueue_dma source(%arg20 : memref<64x128xf32, #tpu.memory_space<vmem>>) target(%dma_start3A_380 : memref<64x128xf32, #tpu.memory_space<hbm>>) target_semaphore(%arg30 : memref<!tpu.dma_semaphore, #tpu.memory_space<semaphore_mem>>)
      %dma_wait3A_381 = arith.constant 0 : i32
      %dma_wait3A_382 = arith.constant 0 : i32
      %dma_wait3A_383 = tpu.memref_slice %arg7[%dma_wait3A_381, %dma_wait3A_382] : memref<1638400x128xf32, #tpu.memory_space<hbm>> -> memref<64x128xf32, #tpu.memory_space<hbm>>
      %dma_wait3A_384 = arith.constant 0 : i32
      %dma_wait3A_385 = arith.constant 0 : i32
      %dma_wait3A_386 = tpu.memref_slice %arg7[%dma_wait3A_384, %dma_wait3A_385] : memref<1638400x128xf32, #tpu.memory_space<hbm>> -> memref<64x128xf32, #tpu.memory_space<hbm>>
      tpu.wait_dma2 semaphore(%arg26 : memref<!tpu.dma_semaphore, #tpu.memory_space<semaphore_mem>>) src(%dma_wait3A_386 : memref<64x128xf32, #tpu.memory_space<hbm>>) dst(%arg21 : memref<64x128xf32, #tpu.memory_space<vmem>>)
      %mul3A_387 = arith.constant 5 : i32
      %mul3A_388 = arith.muli %scan3A_312, %mul3A_387 : i32
      %add3A_389 = arith.constant 4 : i32
      %add3A_390 = arith.addi %mul3A_388, %add3A_389 : i32
      %mul3A_391 = arith.constant 64 : i32
      %mul3A_392 = arith.muli %add3A_390, %mul3A_391 : i32
      %add3A_393 = arith.addi %mul3A_2, %mul3A_392 : i32
      %dma_start3A_394 = arith.constant 0 : i32
      %dma_start3A_395 = tpu.memref_slice %arg7[%add3A_393, %dma_start3A_394] : memref<1638400x128xf32, #tpu.memory_space<hbm>> -> memref<64x128xf32, #tpu.memory_space<hbm>>
      %dma_start3A_396 = arith.constant 0 : i32
      %dma_start3A_397 = tpu.memref_slice %arg7[%add3A_393, %dma_start3A_396] : memref<1638400x128xf32, #tpu.memory_space<hbm>> -> memref<64x128xf32, #tpu.memory_space<hbm>>
      tpu.enqueue_dma source(%arg21 : memref<64x128xf32, #tpu.memory_space<vmem>>) target(%dma_start3A_397 : memref<64x128xf32, #tpu.memory_space<hbm>>) target_semaphore(%arg31 : memref<!tpu.dma_semaphore, #tpu.memory_space<semaphore_mem>>)
      %dma_wait3A_398 = arith.constant 0 : i32
      %dma_wait3A_399 = arith.constant 0 : i32
      %dma_wait3A_400 = tpu.memref_slice %arg7[%dma_wait3A_398, %dma_wait3A_399] : memref<1638400x128xf32, #tpu.memory_space<hbm>> -> memref<64x128xf32, #tpu.memory_space<hbm>>
      %dma_wait3A_401 = arith.constant 0 : i32
      %dma_wait3A_402 = arith.constant 0 : i32
      %dma_wait3A_403 = tpu.memref_slice %arg7[%dma_wait3A_401, %dma_wait3A_402] : memref<1638400x128xf32, #tpu.memory_space<hbm>> -> memref<64x128xf32, #tpu.memory_space<hbm>>
      tpu.wait_dma2 semaphore(%arg27 : memref<!tpu.dma_semaphore, #tpu.memory_space<semaphore_mem>>) src(%arg17 : memref<64x128xf32, #tpu.memory_space<vmem>>) dst(%dma_wait3A_403 : memref<64x128xf32, #tpu.memory_space<hbm>>)
      %add3A_404 = arith.constant 1 : i32
      %add3A_405 = arith.addi %scan3A_312, %add3A_404 : i32
      %mul3A_406 = arith.constant 5 : i32
      %mul3A_407 = arith.muli %add3A_405, %mul3A_406 : i32
      %add3A_408 = arith.constant 0 : i32
      %add3A_409 = arith.addi %mul3A_407, %add3A_408 : i32
      %jit3A = arith.constant 25 : i32
      %div3A = arith.divsi %add3A_409, %jit3A : i32
      %sign3A = arith.constant 0 : i32
      %sign3A_410 = arith.cmpi sgt, %add3A_409, %sign3A : i32
      %sign3A_411 = arith.extui %sign3A_410 : i1 to i32
      %sign3A_412 = arith.constant 0 : i32
      %sign3A_413 = arith.cmpi slt, %add3A_409, %sign3A_412 : i32
      %sign3A_414 = arith.extui %sign3A_413 : i1 to i32
      %sign3A_415 = arith.subi %sign3A_411, %sign3A_414 : i32
      %sign3A_416 = arith.constant 0 : i32
      %sign3A_417 = arith.cmpi sgt, %jit3A, %sign3A_416 : i32
      %sign3A_418 = arith.extui %sign3A_417 : i1 to i32
      %sign3A_419 = arith.constant 0 : i32
      %sign3A_420 = arith.cmpi slt, %jit3A, %sign3A_419 : i32
      %sign3A_421 = arith.extui %sign3A_420 : i1 to i32
      %sign3A_422 = arith.subi %sign3A_418, %sign3A_421 : i32
      %ne3A = arith.cmpi ne, %sign3A_415, %sign3A_422 : i32
      %rem3A = arith.remsi %add3A_409, %jit3A : i32
      %ne3A_423 = arith.constant 0 : i32
      %ne3A_424 = arith.cmpi ne, %rem3A, %ne3A_423 : i32
      %and3A = arith.andi %ne3A, %ne3A_424 : i1
      %sub3A = arith.constant 1 : i32
      %sub3A_425 = arith.subi %div3A, %sub3A : i32
      %select_n3A = arith.select %and3A, %sub3A_425, %div3A : i32
      %jit3A_426 = arith.constant 25 : i32
      %eq3A_427 = arith.constant 0 : i32
      %eq3A_428 = arith.cmpi eq, %jit3A_426, %eq3A_427 : i32
      %jit3A_429 = arith.constant 1 : i32
      %select_n3A_430 = arith.select %eq3A_428, %jit3A_429, %jit3A_426 : i32
      %rem3A_431 = arith.remsi %add3A_409, %select_n3A_430 : i32
      %ne3A_432 = arith.constant 0 : i32
      %ne3A_433 = arith.cmpi ne, %rem3A_431, %ne3A_432 : i32
      %lt3A = arith.constant 0 : i32
      %lt3A_434 = arith.cmpi slt, %rem3A_431, %lt3A : i32
      %lt3A_435 = arith.constant 0 : i32
      %lt3A_436 = arith.cmpi slt, %select_n3A_430, %lt3A_435 : i32
      %ne3A_437 = arith.xori %lt3A_434, %lt3A_436 : i1
      %and3A_438 = arith.andi %ne3A_437, %ne3A_433 : i1
      %add3A_439 = arith.addi %rem3A_431, %select_n3A_430 : i32
      %select_n3A_440 = arith.select %and3A_438, %add3A_439, %rem3A_431 : i32
      %mul3A_441 = arith.constant 16 : i32
      %mul3A_442 = arith.muli %select_n3A, %mul3A_441 : i32
      %mul3A_443 = arith.constant 64 : i32
      %mul3A_444 = arith.muli %select_n3A_440, %mul3A_443 : i32
      %add3A_445 = arith.constant 0 : i32
      %add3A_446 = arith.addi %mul3A_444, %add3A_445 : i32
      %get3A_447 = arith.index_cast %add3A_446 : i32 to index
      %get3A_448 = tpu.vector_load %arg10[%get3A_447] {strides = array<i32>} : memref<1600xi32, #tpu.memory_space<vmem>>, vector<16xi32>,
      %add3A_449 = vector.broadcast %mul3A_442 : i32 to vector<16xi32>
      %add3A_450 = arith.addi %get3A_448, %add3A_449 : vector<16xi32>
      %mul3A_451 = arith.constant 64 : i32
      %mul3A_452 = arith.muli %select_n3A_440, %mul3A_451 : i32
      %add3A_453 = arith.constant 0 : i32
      %add3A_454 = arith.addi %mul3A_452, %add3A_453 : i32
      %get3A_455 = arith.index_cast %add3A_454 : i32 to index
      %get3A_456 = tpu.vector_load %arg11[%get3A_455] {strides = array<i32>} : memref<1600xi32, #tpu.memory_space<vmem>>, vector<16xi32>,
      %gather3A_457 = tpu.vector_load_idx %arg9[%add3A_450, %get3A_456] : memref<512x100xi32, #tpu.memory_space<vmem>>[vector<16xi32>, vector<16xi32>], vector<16xi32>,
      %swap3A_458 = arith.constant 0 : index
      %swap3A_459 = tpu.vector_load %arg12[%swap3A_458] {strides = array<i32>} : memref<64xi32, #tpu.memory_space<vmem>>, vector<16xi32>,
      tpu.vector_store %arg12[%swap3A_458], %gather3A_457 {strides = array<i32>} : memref<64xi32, #tpu.memory_space<vmem>>, vector<16xi32>,
      %mul3A_460 = arith.constant 64 : i32
      %mul3A_461 = arith.muli %select_n3A_440, %mul3A_460 : i32
      %add3A_462 = arith.constant 16 : i32
      %add3A_463 = arith.addi %mul3A_461, %add3A_462 : i32
      %get3A_464 = arith.index_cast %add3A_463 : i32 to index
      %get3A_465 = tpu.vector_load %arg10[%get3A_464] {strides = array<i32>} : memref<1600xi32, #tpu.memory_space<vmem>>, vector<16xi32>,
      %add3A_466 = vector.broadcast %mul3A_442 : i32 to vector<16xi32>
      %add3A_467 = arith.addi %get3A_465, %add3A_466 : vector<16xi32>
      %mul3A_468 = arith.constant 64 : i32
      %mul3A_469 = arith.muli %select_n3A_440, %mul3A_468 : i32
      %add3A_470 = arith.constant 16 : i32
      %add3A_471 = arith.addi %mul3A_469, %add3A_470 : i32
      %get3A_472 = arith.index_cast %add3A_471 : i32 to index
      %get3A_473 = tpu.vector_load %arg11[%get3A_472] {strides = array<i32>} : memref<1600xi32, #tpu.memory_space<vmem>>, vector<16xi32>,
      %gather3A_474 = tpu.vector_load_idx %arg9[%add3A_467, %get3A_473] : memref<512x100xi32, #tpu.memory_space<vmem>>[vector<16xi32>, vector<16xi32>], vector<16xi32>,
      %swap3A_475 = arith.constant 16 : index
      %swap3A_476 = tpu.vector_load %arg12[%swap3A_475] {strides = array<i32>} : memref<64xi32, #tpu.memory_space<vmem>>, vector<16xi32>,
      tpu.vector_store %arg12[%swap3A_475], %gather3A_474 {strides = array<i32>} : memref<64xi32, #tpu.memory_space<vmem>>, vector<16xi32>,
      %mul3A_477 = arith.constant 64 : i32
      %mul3A_478 = arith.muli %select_n3A_440, %mul3A_477 : i32
      %add3A_479 = arith.constant 32 : i32
      %add3A_480 = arith.addi %mul3A_478, %add3A_479 : i32
      %get3A_481 = arith.index_cast %add3A_480 : i32 to index
      %get3A_482 = tpu.vector_load %arg10[%get3A_481] {strides = array<i32>} : memref<1600xi32, #tpu.memory_space<vmem>>, vector<16xi32>,
      %add3A_483 = vector.broadcast %mul3A_442 : i32 to vector<16xi32>
      %add3A_484 = arith.addi %get3A_482, %add3A_483 : vector<16xi32>
      %mul3A_485 = arith.constant 64 : i32
      %mul3A_486 = arith.muli %select_n3A_440, %mul3A_485 : i32
      %add3A_487 = arith.constant 32 : i32
      %add3A_488 = arith.addi %mul3A_486, %add3A_487 : i32
      %get3A_489 = arith.index_cast %add3A_488 : i32 to index
      %get3A_490 = tpu.vector_load %arg11[%get3A_489] {strides = array<i32>} : memref<1600xi32, #tpu.memory_space<vmem>>, vector<16xi32>,
      %gather3A_491 = tpu.vector_load_idx %arg9[%add3A_484, %get3A_490] : memref<512x100xi32, #tpu.memory_space<vmem>>[vector<16xi32>, vector<16xi32>], vector<16xi32>,
      %swap3A_492 = arith.constant 32 : index
      %swap3A_493 = tpu.vector_load %arg12[%swap3A_492] {strides = array<i32>} : memref<64xi32, #tpu.memory_space<vmem>>, vector<16xi32>,
      tpu.vector_store %arg12[%swap3A_492], %gather3A_491 {strides = array<i32>} : memref<64xi32, #tpu.memory_space<vmem>>, vector<16xi32>,
      %mul3A_494 = arith.constant 64 : i32
      %mul3A_495 = arith.muli %select_n3A_440, %mul3A_494 : i32
      %add3A_496 = arith.constant 48 : i32
      %add3A_497 = arith.addi %mul3A_495, %add3A_496 : i32
      %get3A_498 = arith.index_cast %add3A_497 : i32 to index
      %get3A_499 = tpu.vector_load %arg10[%get3A_498] {strides = array<i32>} : memref<1600xi32, #tpu.memory_space<vmem>>, vector<16xi32>,
      %add3A_500 = vector.broadcast %mul3A_442 : i32 to vector<16xi32>
      %add3A_501 = arith.addi %get3A_499, %add3A_500 : vector<16xi32>
      %mul3A_502 = arith.constant 64 : i32
      %mul3A_503 = arith.muli %select_n3A_440, %mul3A_502 : i32
      %add3A_504 = arith.constant 48 : i32
      %add3A_505 = arith.addi %mul3A_503, %add3A_504 : i32
      %get3A_506 = arith.index_cast %add3A_505 : i32 to index
      %get3A_507 = tpu.vector_load %arg11[%get3A_506] {strides = array<i32>} : memref<1600xi32, #tpu.memory_space<vmem>>, vector<16xi32>,
      %gather3A_508 = tpu.vector_load_idx %arg9[%add3A_501, %get3A_507] : memref<512x100xi32, #tpu.memory_space<vmem>>[vector<16xi32>, vector<16xi32>], vector<16xi32>,
      %swap3A_509 = arith.constant 48 : index
      %swap3A_510 = tpu.vector_load %arg12[%swap3A_509] {strides = array<i32>} : memref<64xi32, #tpu.memory_space<vmem>>, vector<16xi32>,
      tpu.vector_store %arg12[%swap3A_509], %gather3A_508 {strides = array<i32>} : memref<64xi32, #tpu.memory_space<vmem>>, vector<16xi32>,
      %dma_start3A_511 = arith.constant 0 : i32
      %dma_start3A_512 = arith.constant 0 : i32
      %dma_start3A_513 = tpu.memref_slice %arg8[%dma_start3A_511, %dma_start3A_512] : memref<256x128xf32, #tpu.memory_space<vmem_shared>> -> memref<256x128xf32, #tpu.memory_space<vmem_shared>>
      tpu.enqueue_indirect_dma source(%dma_start3A_513 : memref<256x128xf32, #tpu.memory_space<vmem_shared>>) target(%arg17 : memref<64x128xf32, #tpu.memory_space<vmem>>) offsets(%arg12 : memref<64xi32, #tpu.memory_space<vmem>>) semaphore(%arg22 : memref<!tpu.dma_semaphore, #tpu.memory_space<semaphore_mem>>)
      %dma_wait3A_514 = arith.constant 0 : i32
      %dma_wait3A_515 = arith.constant 0 : i32
      %dma_wait3A_516 = tpu.memref_slice %arg7[%dma_wait3A_514, %dma_wait3A_515] : memref<1638400x128xf32, #tpu.memory_space<hbm>> -> memref<64x128xf32, #tpu.memory_space<hbm>>
      %dma_wait3A_517 = arith.constant 0 : i32
      %dma_wait3A_518 = arith.constant 0 : i32
      %dma_wait3A_519 = tpu.memref_slice %arg7[%dma_wait3A_517, %dma_wait3A_518] : memref<1638400x128xf32, #tpu.memory_space<hbm>> -> memref<64x128xf32, #tpu.memory_space<hbm>>
      tpu.wait_dma2 semaphore(%arg28 : memref<!tpu.dma_semaphore, #tpu.memory_space<semaphore_mem>>) src(%arg18 : memref<64x128xf32, #tpu.memory_space<vmem>>) dst(%dma_wait3A_519 : memref<64x128xf32, #tpu.memory_space<hbm>>)
      %add3A_520 = arith.constant 1 : i32
      %add3A_521 = arith.addi %scan3A_312, %add3A_520 : i32
      %mul3A_522 = arith.constant 5 : i32
      %mul3A_523 = arith.muli %add3A_521, %mul3A_522 : i32
      %add3A_524 = arith.constant 1 : i32
      %add3A_525 = arith.addi %mul3A_523, %add3A_524 : i32
      %jit3A_526 = arith.constant 25 : i32
      %div3A_527 = arith.divsi %add3A_525, %jit3A_526 : i32
      %sign3A_528 = arith.constant 0 : i32
      %sign3A_529 = arith.cmpi sgt, %add3A_525, %sign3A_528 : i32
      %sign3A_530 = arith.extui %sign3A_529 : i1 to i32
      %sign3A_531 = arith.constant 0 : i32
      %sign3A_532 = arith.cmpi slt, %add3A_525, %sign3A_531 : i32
      %sign3A_533 = arith.extui %sign3A_532 : i1 to i32
      %sign3A_534 = arith.subi %sign3A_530, %sign3A_533 : i32
      %sign3A_535 = arith.constant 0 : i32
      %sign3A_536 = arith.cmpi sgt, %jit3A_526, %sign3A_535 : i32
      %sign3A_537 = arith.extui %sign3A_536 : i1 to i32
      %sign3A_538 = arith.constant 0 : i32
      %sign3A_539 = arith.cmpi slt, %jit3A_526, %sign3A_538 : i32
      %sign3A_540 = arith.extui %sign3A_539 : i1 to i32
      %sign3A_541 = arith.subi %sign3A_537, %sign3A_540 : i32
      %ne3A_542 = arith.cmpi ne, %sign3A_534, %sign3A_541 : i32
      %rem3A_543 = arith.remsi %add3A_525, %jit3A_526 : i32
      %ne3A_544 = arith.constant 0 : i32
      %ne3A_545 = arith.cmpi ne, %rem3A_543, %ne3A_544 : i32
      %and3A_546 = arith.andi %ne3A_542, %ne3A_545 : i1
      %sub3A_547 = arith.constant 1 : i32
      %sub3A_548 = arith.subi %div3A_527, %sub3A_547 : i32
      %select_n3A_549 = arith.select %and3A_546, %sub3A_548, %div3A_527 : i32
      %jit3A_550 = arith.constant 25 : i32
      %eq3A_551 = arith.constant 0 : i32
      %eq3A_552 = arith.cmpi eq, %jit3A_550, %eq3A_551 : i32
      %jit3A_553 = arith.constant 1 : i32
      %select_n3A_554 = arith.select %eq3A_552, %jit3A_553, %jit3A_550 : i32
      %rem3A_555 = arith.remsi %add3A_525, %select_n3A_554 : i32
      %ne3A_556 = arith.constant 0 : i32
      %ne3A_557 = arith.cmpi ne, %rem3A_555, %ne3A_556 : i32
      %lt3A_558 = arith.constant 0 : i32
      %lt3A_559 = arith.cmpi slt, %rem3A_555, %lt3A_558 : i32
      %lt3A_560 = arith.constant 0 : i32
      %lt3A_561 = arith.cmpi slt, %select_n3A_554, %lt3A_560 : i32
      %ne3A_562 = arith.xori %lt3A_559, %lt3A_561 : i1
      %and3A_563 = arith.andi %ne3A_562, %ne3A_557 : i1
      %add3A_564 = arith.addi %rem3A_555, %select_n3A_554 : i32
      %select_n3A_565 = arith.select %and3A_563, %add3A_564, %rem3A_555 : i32
      %mul3A_566 = arith.constant 16 : i32
      %mul3A_567 = arith.muli %select_n3A_549, %mul3A_566 : i32
      %mul3A_568 = arith.constant 64 : i32
      %mul3A_569 = arith.muli %select_n3A_565, %mul3A_568 : i32
      %add3A_570 = arith.constant 0 : i32
      %add3A_571 = arith.addi %mul3A_569, %add3A_570 : i32
      %get3A_572 = arith.index_cast %add3A_571 : i32 to index
      %get3A_573 = tpu.vector_load %arg10[%get3A_572] {strides = array<i32>} : memref<1600xi32, #tpu.memory_space<vmem>>, vector<16xi32>,
      %add3A_574 = vector.broadcast %mul3A_567 : i32 to vector<16xi32>
      %add3A_575 = arith.addi %get3A_573, %add3A_574 : vector<16xi32>
      %mul3A_576 = arith.constant 64 : i32
      %mul3A_577 = arith.muli %select_n3A_565, %mul3A_576 : i32
      %add3A_578 = arith.constant 0 : i32
      %add3A_579 = arith.addi %mul3A_577, %add3A_578 : i32
      %get3A_580 = arith.index_cast %add3A_579 : i32 to index
      %get3A_581 = tpu.vector_load %arg11[%get3A_580] {strides = array<i32>} : memref<1600xi32, #tpu.memory_space<vmem>>, vector<16xi32>,
      %gather3A_582 = tpu.vector_load_idx %arg9[%add3A_575, %get3A_581] : memref<512x100xi32, #tpu.memory_space<vmem>>[vector<16xi32>, vector<16xi32>], vector<16xi32>,
      %swap3A_583 = arith.constant 0 : index
      %swap3A_584 = tpu.vector_load %arg13[%swap3A_583] {strides = array<i32>} : memref<64xi32, #tpu.memory_space<vmem>>, vector<16xi32>,
      tpu.vector_store %arg13[%swap3A_583], %gather3A_582 {strides = array<i32>} : memref<64xi32, #tpu.memory_space<vmem>>, vector<16xi32>,
      %mul3A_585 = arith.constant 64 : i32
      %mul3A_586 = arith.muli %select_n3A_565, %mul3A_585 : i32
      %add3A_587 = arith.constant 16 : i32
      %add3A_588 = arith.addi %mul3A_586, %add3A_587 : i32
      %get3A_589 = arith.index_cast %add3A_588 : i32 to index
      %get3A_590 = tpu.vector_load %arg10[%get3A_589] {strides = array<i32>} : memref<1600xi32, #tpu.memory_space<vmem>>, vector<16xi32>,
      %add3A_591 = vector.broadcast %mul3A_567 : i32 to vector<16xi32>
      %add3A_592 = arith.addi %get3A_590, %add3A_591 : vector<16xi32>
      %mul3A_593 = arith.constant 64 : i32
      %mul3A_594 = arith.muli %select_n3A_565, %mul3A_593 : i32
      %add3A_595 = arith.constant 16 : i32
      %add3A_596 = arith.addi %mul3A_594, %add3A_595 : i32
      %get3A_597 = arith.index_cast %add3A_596 : i32 to index
      %get3A_598 = tpu.vector_load %arg11[%get3A_597] {strides = array<i32>} : memref<1600xi32, #tpu.memory_space<vmem>>, vector<16xi32>,
      %gather3A_599 = tpu.vector_load_idx %arg9[%add3A_592, %get3A_598] : memref<512x100xi32, #tpu.memory_space<vmem>>[vector<16xi32>, vector<16xi32>], vector<16xi32>,
      %swap3A_600 = arith.constant 16 : index
      %swap3A_601 = tpu.vector_load %arg13[%swap3A_600] {strides = array<i32>} : memref<64xi32, #tpu.memory_space<vmem>>, vector<16xi32>,
      tpu.vector_store %arg13[%swap3A_600], %gather3A_599 {strides = array<i32>} : memref<64xi32, #tpu.memory_space<vmem>>, vector<16xi32>,
      %mul3A_602 = arith.constant 64 : i32
      %mul3A_603 = arith.muli %select_n3A_565, %mul3A_602 : i32
      %add3A_604 = arith.constant 32 : i32
      %add3A_605 = arith.addi %mul3A_603, %add3A_604 : i32
      %get3A_606 = arith.index_cast %add3A_605 : i32 to index
      %get3A_607 = tpu.vector_load %arg10[%get3A_606] {strides = array<i32>} : memref<1600xi32, #tpu.memory_space<vmem>>, vector<16xi32>,
      %add3A_608 = vector.broadcast %mul3A_567 : i32 to vector<16xi32>
      %add3A_609 = arith.addi %get3A_607, %add3A_608 : vector<16xi32>
      %mul3A_610 = arith.constant 64 : i32
      %mul3A_611 = arith.muli %select_n3A_565, %mul3A_610 : i32
      %add3A_612 = arith.constant 32 : i32
      %add3A_613 = arith.addi %mul3A_611, %add3A_612 : i32
      %get3A_614 = arith.index_cast %add3A_613 : i32 to index
      %get3A_615 = tpu.vector_load %arg11[%get3A_614] {strides = array<i32>} : memref<1600xi32, #tpu.memory_space<vmem>>, vector<16xi32>,
      %gather3A_616 = tpu.vector_load_idx %arg9[%add3A_609, %get3A_615] : memref<512x100xi32, #tpu.memory_space<vmem>>[vector<16xi32>, vector<16xi32>], vector<16xi32>,
      %swap3A_617 = arith.constant 32 : index
      %swap3A_618 = tpu.vector_load %arg13[%swap3A_617] {strides = array<i32>} : memref<64xi32, #tpu.memory_space<vmem>>, vector<16xi32>,
      tpu.vector_store %arg13[%swap3A_617], %gather3A_616 {strides = array<i32>} : memref<64xi32, #tpu.memory_space<vmem>>, vector<16xi32>,
      %mul3A_619 = arith.constant 64 : i32
      %mul3A_620 = arith.muli %select_n3A_565, %mul3A_619 : i32
      %add3A_621 = arith.constant 48 : i32
      %add3A_622 = arith.addi %mul3A_620, %add3A_621 : i32
      %get3A_623 = arith.index_cast %add3A_622 : i32 to index
      %get3A_624 = tpu.vector_load %arg10[%get3A_623] {strides = array<i32>} : memref<1600xi32, #tpu.memory_space<vmem>>, vector<16xi32>,
      %add3A_625 = vector.broadcast %mul3A_567 : i32 to vector<16xi32>
      %add3A_626 = arith.addi %get3A_624, %add3A_625 : vector<16xi32>
      %mul3A_627 = arith.constant 64 : i32
      %mul3A_628 = arith.muli %select_n3A_565, %mul3A_627 : i32
      %add3A_629 = arith.constant 48 : i32
      %add3A_630 = arith.addi %mul3A_628, %add3A_629 : i32
      %get3A_631 = arith.index_cast %add3A_630 : i32 to index
      %get3A_632 = tpu.vector_load %arg11[%get3A_631] {strides = array<i32>} : memref<1600xi32, #tpu.memory_space<vmem>>, vector<16xi32>,
      %gather3A_633 = tpu.vector_load_idx %arg9[%add3A_626, %get3A_632] : memref<512x100xi32, #tpu.memory_space<vmem>>[vector<16xi32>, vector<16xi32>], vector<16xi32>,
      %swap3A_634 = arith.constant 48 : index
      %swap3A_635 = tpu.vector_load %arg13[%swap3A_634] {strides = array<i32>} : memref<64xi32, #tpu.memory_space<vmem>>, vector<16xi32>,
      tpu.vector_store %arg13[%swap3A_634], %gather3A_633 {strides = array<i32>} : memref<64xi32, #tpu.memory_space<vmem>>, vector<16xi32>,
      %dma_start3A_636 = arith.constant 0 : i32
      %dma_start3A_637 = arith.constant 0 : i32
      %dma_start3A_638 = tpu.memref_slice %arg8[%dma_start3A_636, %dma_start3A_637] : memref<256x128xf32, #tpu.memory_space<vmem_shared>> -> memref<256x128xf32, #tpu.memory_space<vmem_shared>>
      tpu.enqueue_indirect_dma source(%dma_start3A_638 : memref<256x128xf32, #tpu.memory_space<vmem_shared>>) target(%arg18 : memref<64x128xf32, #tpu.memory_space<vmem>>) offsets(%arg13 : memref<64xi32, #tpu.memory_space<vmem>>) semaphore(%arg23 : memref<!tpu.dma_semaphore, #tpu.memory_space<semaphore_mem>>)
      %dma_wait3A_639 = arith.constant 0 : i32
      %dma_wait3A_640 = arith.constant 0 : i32
      %dma_wait3A_641 = tpu.memref_slice %arg7[%dma_wait3A_639, %dma_wait3A_640] : memref<1638400x128xf32, #tpu.memory_space<hbm>> -> memref<64x128xf32, #tpu.memory_space<hbm>>
      %dma_wait3A_642 = arith.constant 0 : i32
      %dma_wait3A_643 = arith.constant 0 : i32
      %dma_wait3A_644 = tpu.memref_slice %arg7[%dma_wait3A_642, %dma_wait3A_643] : memref<1638400x128xf32, #tpu.memory_space<hbm>> -> memref<64x128xf32, #tpu.memory_space<hbm>>
      tpu.wait_dma2 semaphore(%arg29 : memref<!tpu.dma_semaphore, #tpu.memory_space<semaphore_mem>>) src(%arg19 : memref<64x128xf32, #tpu.memory_space<vmem>>) dst(%dma_wait3A_644 : memref<64x128xf32, #tpu.memory_space<hbm>>)
      %add3A_645 = arith.constant 1 : i32
      %add3A_646 = arith.addi %scan3A_312, %add3A_645 : i32
      %mul3A_647 = arith.constant 5 : i32
      %mul3A_648 = arith.muli %add3A_646, %mul3A_647 : i32
      %add3A_649 = arith.constant 2 : i32
      %add3A_650 = arith.addi %mul3A_648, %add3A_649 : i32
      %jit3A_651 = arith.constant 25 : i32
      %div3A_652 = arith.divsi %add3A_650, %jit3A_651 : i32
      %sign3A_653 = arith.constant 0 : i32
      %sign3A_654 = arith.cmpi sgt, %add3A_650, %sign3A_653 : i32
      %sign3A_655 = arith.extui %sign3A_654 : i1 to i32
      %sign3A_656 = arith.constant 0 : i32
      %sign3A_657 = arith.cmpi slt, %add3A_650, %sign3A_656 : i32
      %sign3A_658 = arith.extui %sign3A_657 : i1 to i32
      %sign3A_659 = arith.subi %sign3A_655, %sign3A_658 : i32
      %sign3A_660 = arith.constant 0 : i32
      %sign3A_661 = arith.cmpi sgt, %jit3A_651, %sign3A_660 : i32
      %sign3A_662 = arith.extui %sign3A_661 : i1 to i32
      %sign3A_663 = arith.constant 0 : i32
      %sign3A_664 = arith.cmpi slt, %jit3A_651, %sign3A_663 : i32
      %sign3A_665 = arith.extui %sign3A_664 : i1 to i32
      %sign3A_666 = arith.subi %sign3A_662, %sign3A_665 : i32
      %ne3A_667 = arith.cmpi ne, %sign3A_659, %sign3A_666 : i32
      %rem3A_668 = arith.remsi %add3A_650, %jit3A_651 : i32
      %ne3A_669 = arith.constant 0 : i32
      %ne3A_670 = arith.cmpi ne, %rem3A_668, %ne3A_669 : i32
      %and3A_671 = arith.andi %ne3A_667, %ne3A_670 : i1
      %sub3A_672 = arith.constant 1 : i32
      %sub3A_673 = arith.subi %div3A_652, %sub3A_672 : i32
      %select_n3A_674 = arith.select %and3A_671, %sub3A_673, %div3A_652 : i32
      %jit3A_675 = arith.constant 25 : i32
      %eq3A_676 = arith.constant 0 : i32
      %eq3A_677 = arith.cmpi eq, %jit3A_675, %eq3A_676 : i32
      %jit3A_678 = arith.constant 1 : i32
      %select_n3A_679 = arith.select %eq3A_677, %jit3A_678, %jit3A_675 : i32
      %rem3A_680 = arith.remsi %add3A_650, %select_n3A_679 : i32
      %ne3A_681 = arith.constant 0 : i32
      %ne3A_682 = arith.cmpi ne, %rem3A_680, %ne3A_681 : i32
      %lt3A_683 = arith.constant 0 : i32
      %lt3A_684 = arith.cmpi slt, %rem3A_680, %lt3A_683 : i32
      %lt3A_685 = arith.constant 0 : i32
      %lt3A_686 = arith.cmpi slt, %select_n3A_679, %lt3A_685 : i32
      %ne3A_687 = arith.xori %lt3A_684, %lt3A_686 : i1
      %and3A_688 = arith.andi %ne3A_687, %ne3A_682 : i1
      %add3A_689 = arith.addi %rem3A_680, %select_n3A_679 : i32
      %select_n3A_690 = arith.select %and3A_688, %add3A_689, %rem3A_680 : i32
      %mul3A_691 = arith.constant 16 : i32
      %mul3A_692 = arith.muli %select_n3A_674, %mul3A_691 : i32
      %mul3A_693 = arith.constant 64 : i32
      %mul3A_694 = arith.muli %select_n3A_690, %mul3A_693 : i32
      %add3A_695 = arith.constant 0 : i32
      %add3A_696 = arith.addi %mul3A_694, %add3A_695 : i32
      %get3A_697 = arith.index_cast %add3A_696 : i32 to index
      %get3A_698 = tpu.vector_load %arg10[%get3A_697] {strides = array<i32>} : memref<1600xi32, #tpu.memory_space<vmem>>, vector<16xi32>,
      %add3A_699 = vector.broadcast %mul3A_692 : i32 to vector<16xi32>
      %add3A_700 = arith.addi %get3A_698, %add3A_699 : vector<16xi32>
      %mul3A_701 = arith.constant 64 : i32
      %mul3A_702 = arith.muli %select_n3A_690, %mul3A_701 : i32
      %add3A_703 = arith.constant 0 : i32
      %add3A_704 = arith.addi %mul3A_702, %add3A_703 : i32
      %get3A_705 = arith.index_cast %add3A_704 : i32 to index
      %get3A_706 = tpu.vector_load %arg11[%get3A_705] {strides = array<i32>} : memref<1600xi32, #tpu.memory_space<vmem>>, vector<16xi32>,
      %gather3A_707 = tpu.vector_load_idx %arg9[%add3A_700, %get3A_706] : memref<512x100xi32, #tpu.memory_space<vmem>>[vector<16xi32>, vector<16xi32>], vector<16xi32>,
      %swap3A_708 = arith.constant 0 : index
      %swap3A_709 = tpu.vector_load %arg14[%swap3A_708] {strides = array<i32>} : memref<64xi32, #tpu.memory_space<vmem>>, vector<16xi32>,
      tpu.vector_store %arg14[%swap3A_708], %gather3A_707 {strides = array<i32>} : memref<64xi32, #tpu.memory_space<vmem>>, vector<16xi32>,
      %mul3A_710 = arith.constant 64 : i32
      %mul3A_711 = arith.muli %select_n3A_690, %mul3A_710 : i32
      %add3A_712 = arith.constant 16 : i32
      %add3A_713 = arith.addi %mul3A_711, %add3A_712 : i32
      %get3A_714 = arith.index_cast %add3A_713 : i32 to index
      %get3A_715 = tpu.vector_load %arg10[%get3A_714] {strides = array<i32>} : memref<1600xi32, #tpu.memory_space<vmem>>, vector<16xi32>,
      %add3A_716 = vector.broadcast %mul3A_692 : i32 to vector<16xi32>
      %add3A_717 = arith.addi %get3A_715, %add3A_716 : vector<16xi32>
      %mul3A_718 = arith.constant 64 : i32
      %mul3A_719 = arith.muli %select_n3A_690, %mul3A_718 : i32
      %add3A_720 = arith.constant 16 : i32
      %add3A_721 = arith.addi %mul3A_719, %add3A_720 : i32
      %get3A_722 = arith.index_cast %add3A_721 : i32 to index
      %get3A_723 = tpu.vector_load %arg11[%get3A_722] {strides = array<i32>} : memref<1600xi32, #tpu.memory_space<vmem>>, vector<16xi32>,
      %gather3A_724 = tpu.vector_load_idx %arg9[%add3A_717, %get3A_723] : memref<512x100xi32, #tpu.memory_space<vmem>>[vector<16xi32>, vector<16xi32>], vector<16xi32>,
      %swap3A_725 = arith.constant 16 : index
      %swap3A_726 = tpu.vector_load %arg14[%swap3A_725] {strides = array<i32>} : memref<64xi32, #tpu.memory_space<vmem>>, vector<16xi32>,
      tpu.vector_store %arg14[%swap3A_725], %gather3A_724 {strides = array<i32>} : memref<64xi32, #tpu.memory_space<vmem>>, vector<16xi32>,
      %mul3A_727 = arith.constant 64 : i32
      %mul3A_728 = arith.muli %select_n3A_690, %mul3A_727 : i32
      %add3A_729 = arith.constant 32 : i32
      %add3A_730 = arith.addi %mul3A_728, %add3A_729 : i32
      %get3A_731 = arith.index_cast %add3A_730 : i32 to index
      %get3A_732 = tpu.vector_load %arg10[%get3A_731] {strides = array<i32>} : memref<1600xi32, #tpu.memory_space<vmem>>, vector<16xi32>,
      %add3A_733 = vector.broadcast %mul3A_692 : i32 to vector<16xi32>
      %add3A_734 = arith.addi %get3A_732, %add3A_733 : vector<16xi32>
      %mul3A_735 = arith.constant 64 : i32
      %mul3A_736 = arith.muli %select_n3A_690, %mul3A_735 : i32
      %add3A_737 = arith.constant 32 : i32
      %add3A_738 = arith.addi %mul3A_736, %add3A_737 : i32
      %get3A_739 = arith.index_cast %add3A_738 : i32 to index
      %get3A_740 = tpu.vector_load %arg11[%get3A_739] {strides = array<i32>} : memref<1600xi32, #tpu.memory_space<vmem>>, vector<16xi32>,
      %gather3A_741 = tpu.vector_load_idx %arg9[%add3A_734, %get3A_740] : memref<512x100xi32, #tpu.memory_space<vmem>>[vector<16xi32>, vector<16xi32>], vector<16xi32>,
      %swap3A_742 = arith.constant 32 : index
      %swap3A_743 = tpu.vector_load %arg14[%swap3A_742] {strides = array<i32>} : memref<64xi32, #tpu.memory_space<vmem>>, vector<16xi32>,
      tpu.vector_store %arg14[%swap3A_742], %gather3A_741 {strides = array<i32>} : memref<64xi32, #tpu.memory_space<vmem>>, vector<16xi32>,
      %mul3A_744 = arith.constant 64 : i32
      %mul3A_745 = arith.muli %select_n3A_690, %mul3A_744 : i32
      %add3A_746 = arith.constant 48 : i32
      %add3A_747 = arith.addi %mul3A_745, %add3A_746 : i32
      %get3A_748 = arith.index_cast %add3A_747 : i32 to index
      %get3A_749 = tpu.vector_load %arg10[%get3A_748] {strides = array<i32>} : memref<1600xi32, #tpu.memory_space<vmem>>, vector<16xi32>,
      %add3A_750 = vector.broadcast %mul3A_692 : i32 to vector<16xi32>
      %add3A_751 = arith.addi %get3A_749, %add3A_750 : vector<16xi32>
      %mul3A_752 = arith.constant 64 : i32
      %mul3A_753 = arith.muli %select_n3A_690, %mul3A_752 : i32
      %add3A_754 = arith.constant 48 : i32
      %add3A_755 = arith.addi %mul3A_753, %add3A_754 : i32
      %get3A_756 = arith.index_cast %add3A_755 : i32 to index
      %get3A_757 = tpu.vector_load %arg11[%get3A_756] {strides = array<i32>} : memref<1600xi32, #tpu.memory_space<vmem>>, vector<16xi32>,
      %gather3A_758 = tpu.vector_load_idx %arg9[%add3A_751, %get3A_757] : memref<512x100xi32, #tpu.memory_space<vmem>>[vector<16xi32>, vector<16xi32>], vector<16xi32>,
      %swap3A_759 = arith.constant 48 : index
      %swap3A_760 = tpu.vector_load %arg14[%swap3A_759] {strides = array<i32>} : memref<64xi32, #tpu.memory_space<vmem>>, vector<16xi32>,
      tpu.vector_store %arg14[%swap3A_759], %gather3A_758 {strides = array<i32>} : memref<64xi32, #tpu.memory_space<vmem>>, vector<16xi32>,
      %dma_start3A_761 = arith.constant 0 : i32
      %dma_start3A_762 = arith.constant 0 : i32
      %dma_start3A_763 = tpu.memref_slice %arg8[%dma_start3A_761, %dma_start3A_762] : memref<256x128xf32, #tpu.memory_space<vmem_shared>> -> memref<256x128xf32, #tpu.memory_space<vmem_shared>>
      tpu.enqueue_indirect_dma source(%dma_start3A_763 : memref<256x128xf32, #tpu.memory_space<vmem_shared>>) target(%arg19 : memref<64x128xf32, #tpu.memory_space<vmem>>) offsets(%arg14 : memref<64xi32, #tpu.memory_space<vmem>>) semaphore(%arg24 : memref<!tpu.dma_semaphore, #tpu.memory_space<semaphore_mem>>)
      %dma_wait3A_764 = arith.constant 0 : i32
      %dma_wait3A_765 = arith.constant 0 : i32
      %dma_wait3A_766 = tpu.memref_slice %arg7[%dma_wait3A_764, %dma_wait3A_765] : memref<1638400x128xf32, #tpu.memory_space<hbm>> -> memref<64x128xf32, #tpu.memory_space<hbm>>
      %dma_wait3A_767 = arith.constant 0 : i32
      %dma_wait3A_768 = arith.constant 0 : i32
      %dma_wait3A_769 = tpu.memref_slice %arg7[%dma_wait3A_767, %dma_wait3A_768] : memref<1638400x128xf32, #tpu.memory_space<hbm>> -> memref<64x128xf32, #tpu.memory_space<hbm>>
      tpu.wait_dma2 semaphore(%arg30 : memref<!tpu.dma_semaphore, #tpu.memory_space<semaphore_mem>>) src(%arg20 : memref<64x128xf32, #tpu.memory_space<vmem>>) dst(%dma_wait3A_769 : memref<64x128xf32, #tpu.memory_space<hbm>>)
      %add3A_770 = arith.constant 1 : i32
      %add3A_771 = arith.addi %scan3A_312, %add3A_770 : i32
      %mul3A_772 = arith.constant 5 : i32
      %mul3A_773 = arith.muli %add3A_771, %mul3A_772 : i32
      %add3A_774 = arith.constant 3 : i32
      %add3A_775 = arith.addi %mul3A_773, %add3A_774 : i32
      %jit3A_776 = arith.constant 25 : i32
      %div3A_777 = arith.divsi %add3A_775, %jit3A_776 : i32
      %sign3A_778 = arith.constant 0 : i32
      %sign3A_779 = arith.cmpi sgt, %add3A_775, %sign3A_778 : i32
      %sign3A_780 = arith.extui %sign3A_779 : i1 to i32
      %sign3A_781 = arith.constant 0 : i32
      %sign3A_782 = arith.cmpi slt, %add3A_775, %sign3A_781 : i32
      %sign3A_783 = arith.extui %sign3A_782 : i1 to i32
      %sign3A_784 = arith.subi %sign3A_780, %sign3A_783 : i32
      %sign3A_785 = arith.constant 0 : i32
      %sign3A_786 = arith.cmpi sgt, %jit3A_776, %sign3A_785 : i32
      %sign3A_787 = arith.extui %sign3A_786 : i1 to i32
      %sign3A_788 = arith.constant 0 : i32
      %sign3A_789 = arith.cmpi slt, %jit3A_776, %sign3A_788 : i32
      %sign3A_790 = arith.extui %sign3A_789 : i1 to i32
      %sign3A_791 = arith.subi %sign3A_787, %sign3A_790 : i32
      %ne3A_792 = arith.cmpi ne, %sign3A_784, %sign3A_791 : i32
      %rem3A_793 = arith.remsi %add3A_775, %jit3A_776 : i32
      %ne3A_794 = arith.constant 0 : i32
      %ne3A_795 = arith.cmpi ne, %rem3A_793, %ne3A_794 : i32
      %and3A_796 = arith.andi %ne3A_792, %ne3A_795 : i1
      %sub3A_797 = arith.constant 1 : i32
      %sub3A_798 = arith.subi %div3A_777, %sub3A_797 : i32
      %select_n3A_799 = arith.select %and3A_796, %sub3A_798, %div3A_777 : i32
      %jit3A_800 = arith.constant 25 : i32
      %eq3A_801 = arith.constant 0 : i32
      %eq3A_802 = arith.cmpi eq, %jit3A_800, %eq3A_801 : i32
      %jit3A_803 = arith.constant 1 : i32
      %select_n3A_804 = arith.select %eq3A_802, %jit3A_803, %jit3A_800 : i32
      %rem3A_805 = arith.remsi %add3A_775, %select_n3A_804 : i32
      %ne3A_806 = arith.constant 0 : i32
      %ne3A_807 = arith.cmpi ne, %rem3A_805, %ne3A_806 : i32
      %lt3A_808 = arith.constant 0 : i32
      %lt3A_809 = arith.cmpi slt, %rem3A_805, %lt3A_808 : i32
      %lt3A_810 = arith.constant 0 : i32
      %lt3A_811 = arith.cmpi slt, %select_n3A_804, %lt3A_810 : i32
      %ne3A_812 = arith.xori %lt3A_809, %lt3A_811 : i1
      %and3A_813 = arith.andi %ne3A_812, %ne3A_807 : i1
      %add3A_814 = arith.addi %rem3A_805, %select_n3A_804 : i32
      %select_n3A_815 = arith.select %and3A_813, %add3A_814, %rem3A_805 : i32
      %mul3A_816 = arith.constant 16 : i32
      %mul3A_817 = arith.muli %select_n3A_799, %mul3A_816 : i32
      %mul3A_818 = arith.constant 64 : i32
      %mul3A_819 = arith.muli %select_n3A_815, %mul3A_818 : i32
      %add3A_820 = arith.constant 0 : i32
      %add3A_821 = arith.addi %mul3A_819, %add3A_820 : i32
      %get3A_822 = arith.index_cast %add3A_821 : i32 to index
      %get3A_823 = tpu.vector_load %arg10[%get3A_822] {strides = array<i32>} : memref<1600xi32, #tpu.memory_space<vmem>>, vector<16xi32>,
      %add3A_824 = vector.broadcast %mul3A_817 : i32 to vector<16xi32>
      %add3A_825 = arith.addi %get3A_823, %add3A_824 : vector<16xi32>
      %mul3A_826 = arith.constant 64 : i32
      %mul3A_827 = arith.muli %select_n3A_815, %mul3A_826 : i32
      %add3A_828 = arith.constant 0 : i32
      %add3A_829 = arith.addi %mul3A_827, %add3A_828 : i32
      %get3A_830 = arith.index_cast %add3A_829 : i32 to index
      %get3A_831 = tpu.vector_load %arg11[%get3A_830] {strides = array<i32>} : memref<1600xi32, #tpu.memory_space<vmem>>, vector<16xi32>,
      %gather3A_832 = tpu.vector_load_idx %arg9[%add3A_825, %get3A_831] : memref<512x100xi32, #tpu.memory_space<vmem>>[vector<16xi32>, vector<16xi32>], vector<16xi32>,
      %swap3A_833 = arith.constant 0 : index
      %swap3A_834 = tpu.vector_load %arg15[%swap3A_833] {strides = array<i32>} : memref<64xi32, #tpu.memory_space<vmem>>, vector<16xi32>,
      tpu.vector_store %arg15[%swap3A_833], %gather3A_832 {strides = array<i32>} : memref<64xi32, #tpu.memory_space<vmem>>, vector<16xi32>,
      %mul3A_835 = arith.constant 64 : i32
      %mul3A_836 = arith.muli %select_n3A_815, %mul3A_835 : i32
      %add3A_837 = arith.constant 16 : i32
      %add3A_838 = arith.addi %mul3A_836, %add3A_837 : i32
      %get3A_839 = arith.index_cast %add3A_838 : i32 to index
      %get3A_840 = tpu.vector_load %arg10[%get3A_839] {strides = array<i32>} : memref<1600xi32, #tpu.memory_space<vmem>>, vector<16xi32>,
      %add3A_841 = vector.broadcast %mul3A_817 : i32 to vector<16xi32>
      %add3A_842 = arith.addi %get3A_840, %add3A_841 : vector<16xi32>
      %mul3A_843 = arith.constant 64 : i32
      %mul3A_844 = arith.muli %select_n3A_815, %mul3A_843 : i32
      %add3A_845 = arith.constant 16 : i32
      %add3A_846 = arith.addi %mul3A_844, %add3A_845 : i32
      %get3A_847 = arith.index_cast %add3A_846 : i32 to index
      %get3A_848 = tpu.vector_load %arg11[%get3A_847] {strides = array<i32>} : memref<1600xi32, #tpu.memory_space<vmem>>, vector<16xi32>,
      %gather3A_849 = tpu.vector_load_idx %arg9[%add3A_842, %get3A_848] : memref<512x100xi32, #tpu.memory_space<vmem>>[vector<16xi32>, vector<16xi32>], vector<16xi32>,
      %swap3A_850 = arith.constant 16 : index
      %swap3A_851 = tpu.vector_load %arg15[%swap3A_850] {strides = array<i32>} : memref<64xi32, #tpu.memory_space<vmem>>, vector<16xi32>,
      tpu.vector_store %arg15[%swap3A_850], %gather3A_849 {strides = array<i32>} : memref<64xi32, #tpu.memory_space<vmem>>, vector<16xi32>,
      %mul3A_852 = arith.constant 64 : i32
      %mul3A_853 = arith.muli %select_n3A_815, %mul3A_852 : i32
      %add3A_854 = arith.constant 32 : i32
      %add3A_855 = arith.addi %mul3A_853, %add3A_854 : i32
      %get3A_856 = arith.index_cast %add3A_855 : i32 to index
      %get3A_857 = tpu.vector_load %arg10[%get3A_856] {strides = array<i32>} : memref<1600xi32, #tpu.memory_space<vmem>>, vector<16xi32>,
      %add3A_858 = vector.broadcast %mul3A_817 : i32 to vector<16xi32>
      %add3A_859 = arith.addi %get3A_857, %add3A_858 : vector<16xi32>
      %mul3A_860 = arith.constant 64 : i32
      %mul3A_861 = arith.muli %select_n3A_815, %mul3A_860 : i32
      %add3A_862 = arith.constant 32 : i32
      %add3A_863 = arith.addi %mul3A_861, %add3A_862 : i32
      %get3A_864 = arith.index_cast %add3A_863 : i32 to index
      %get3A_865 = tpu.vector_load %arg11[%get3A_864] {strides = array<i32>} : memref<1600xi32, #tpu.memory_space<vmem>>, vector<16xi32>,
      %gather3A_866 = tpu.vector_load_idx %arg9[%add3A_859, %get3A_865] : memref<512x100xi32, #tpu.memory_space<vmem>>[vector<16xi32>, vector<16xi32>], vector<16xi32>,
      %swap3A_867 = arith.constant 32 : index
      %swap3A_868 = tpu.vector_load %arg15[%swap3A_867] {strides = array<i32>} : memref<64xi32, #tpu.memory_space<vmem>>, vector<16xi32>,
      tpu.vector_store %arg15[%swap3A_867], %gather3A_866 {strides = array<i32>} : memref<64xi32, #tpu.memory_space<vmem>>, vector<16xi32>,
      %mul3A_869 = arith.constant 64 : i32
      %mul3A_870 = arith.muli %select_n3A_815, %mul3A_869 : i32
      %add3A_871 = arith.constant 48 : i32
      %add3A_872 = arith.addi %mul3A_870, %add3A_871 : i32
      %get3A_873 = arith.index_cast %add3A_872 : i32 to index
      %get3A_874 = tpu.vector_load %arg10[%get3A_873] {strides = array<i32>} : memref<1600xi32, #tpu.memory_space<vmem>>, vector<16xi32>,
      %add3A_875 = vector.broadcast %mul3A_817 : i32 to vector<16xi32>
      %add3A_876 = arith.addi %get3A_874, %add3A_875 : vector<16xi32>
      %mul3A_877 = arith.constant 64 : i32
      %mul3A_878 = arith.muli %select_n3A_815, %mul3A_877 : i32
      %add3A_879 = arith.constant 48 : i32
      %add3A_880 = arith.addi %mul3A_878, %add3A_879 : i32
      %get3A_881 = arith.index_cast %add3A_880 : i32 to index
      %get3A_882 = tpu.vector_load %arg11[%get3A_881] {strides = array<i32>} : memref<1600xi32, #tpu.memory_space<vmem>>, vector<16xi32>,
      %gather3A_883 = tpu.vector_load_idx %arg9[%add3A_876, %get3A_882] : memref<512x100xi32, #tpu.memory_space<vmem>>[vector<16xi32>, vector<16xi32>], vector<16xi32>,
      %swap3A_884 = arith.constant 48 : index
      %swap3A_885 = tpu.vector_load %arg15[%swap3A_884] {strides = array<i32>} : memref<64xi32, #tpu.memory_space<vmem>>, vector<16xi32>,
      tpu.vector_store %arg15[%swap3A_884], %gather3A_883 {strides = array<i32>} : memref<64xi32, #tpu.memory_space<vmem>>, vector<16xi32>,
      %dma_start3A_886 = arith.constant 0 : i32
      %dma_start3A_887 = arith.constant 0 : i32
      %dma_start3A_888 = tpu.memref_slice %arg8[%dma_start3A_886, %dma_start3A_887] : memref<256x128xf32, #tpu.memory_space<vmem_shared>> -> memref<256x128xf32, #tpu.memory_space<vmem_shared>>
      tpu.enqueue_indirect_dma source(%dma_start3A_888 : memref<256x128xf32, #tpu.memory_space<vmem_shared>>) target(%arg20 : memref<64x128xf32, #tpu.memory_space<vmem>>) offsets(%arg15 : memref<64xi32, #tpu.memory_space<vmem>>) semaphore(%arg25 : memref<!tpu.dma_semaphore, #tpu.memory_space<semaphore_mem>>)
      %dma_wait3A_889 = arith.constant 0 : i32
      %dma_wait3A_890 = arith.constant 0 : i32
      %dma_wait3A_891 = tpu.memref_slice %arg7[%dma_wait3A_889, %dma_wait3A_890] : memref<1638400x128xf32, #tpu.memory_space<hbm>> -> memref<64x128xf32, #tpu.memory_space<hbm>>
      %dma_wait3A_892 = arith.constant 0 : i32
      %dma_wait3A_893 = arith.constant 0 : i32
      %dma_wait3A_894 = tpu.memref_slice %arg7[%dma_wait3A_892, %dma_wait3A_893] : memref<1638400x128xf32, #tpu.memory_space<hbm>> -> memref<64x128xf32, #tpu.memory_space<hbm>>
      tpu.wait_dma2 semaphore(%arg31 : memref<!tpu.dma_semaphore, #tpu.memory_space<semaphore_mem>>) src(%arg21 : memref<64x128xf32, #tpu.memory_space<vmem>>) dst(%dma_wait3A_894 : memref<64x128xf32, #tpu.memory_space<hbm>>)
      %add3A_895 = arith.constant 1 : i32
      %add3A_896 = arith.addi %scan3A_312, %add3A_895 : i32
      %mul3A_897 = arith.constant 5 : i32
      %mul3A_898 = arith.muli %add3A_896, %mul3A_897 : i32
      %add3A_899 = arith.constant 4 : i32
      %add3A_900 = arith.addi %mul3A_898, %add3A_899 : i32
      %jit3A_901 = arith.constant 25 : i32
      %div3A_902 = arith.divsi %add3A_900, %jit3A_901 : i32
      %sign3A_903 = arith.constant 0 : i32
      %sign3A_904 = arith.cmpi sgt, %add3A_900, %sign3A_903 : i32
      %sign3A_905 = arith.extui %sign3A_904 : i1 to i32
      %sign3A_906 = arith.constant 0 : i32
      %sign3A_907 = arith.cmpi slt, %add3A_900, %sign3A_906 : i32
      %sign3A_908 = arith.extui %sign3A_907 : i1 to i32
      %sign3A_909 = arith.subi %sign3A_905, %sign3A_908 : i32
      %sign3A_910 = arith.constant 0 : i32
      %sign3A_911 = arith.cmpi sgt, %jit3A_901, %sign3A_910 : i32
      %sign3A_912 = arith.extui %sign3A_911 : i1 to i32
      %sign3A_913 = arith.constant 0 : i32
      %sign3A_914 = arith.cmpi slt, %jit3A_901, %sign3A_913 : i32
      %sign3A_915 = arith.extui %sign3A_914 : i1 to i32
      %sign3A_916 = arith.subi %sign3A_912, %sign3A_915 : i32
      %ne3A_917 = arith.cmpi ne, %sign3A_909, %sign3A_916 : i32
      %rem3A_918 = arith.remsi %add3A_900, %jit3A_901 : i32
      %ne3A_919 = arith.constant 0 : i32
      %ne3A_920 = arith.cmpi ne, %rem3A_918, %ne3A_919 : i32
      %and3A_921 = arith.andi %ne3A_917, %ne3A_920 : i1
      %sub3A_922 = arith.constant 1 : i32
      %sub3A_923 = arith.subi %div3A_902, %sub3A_922 : i32
      %select_n3A_924 = arith.select %and3A_921, %sub3A_923, %div3A_902 : i32
      %jit3A_925 = arith.constant 25 : i32
      %eq3A_926 = arith.constant 0 : i32
      %eq3A_927 = arith.cmpi eq, %jit3A_925, %eq3A_926 : i32
      %jit3A_928 = arith.constant 1 : i32
      %select_n3A_929 = arith.select %eq3A_927, %jit3A_928, %jit3A_925 : i32
      %rem3A_930 = arith.remsi %add3A_900, %select_n3A_929 : i32
      %ne3A_931 = arith.constant 0 : i32
      %ne3A_932 = arith.cmpi ne, %rem3A_930, %ne3A_931 : i32
      %lt3A_933 = arith.constant 0 : i32
      %lt3A_934 = arith.cmpi slt, %rem3A_930, %lt3A_933 : i32
      %lt3A_935 = arith.constant 0 : i32
      %lt3A_936 = arith.cmpi slt, %select_n3A_929, %lt3A_935 : i32
      %ne3A_937 = arith.xori %lt3A_934, %lt3A_936 : i1
      %and3A_938 = arith.andi %ne3A_937, %ne3A_932 : i1
      %add3A_939 = arith.addi %rem3A_930, %select_n3A_929 : i32
      %select_n3A_940 = arith.select %and3A_938, %add3A_939, %rem3A_930 : i32
      %mul3A_941 = arith.constant 16 : i32
      %mul3A_942 = arith.muli %select_n3A_924, %mul3A_941 : i32
      %mul3A_943 = arith.constant 64 : i32
      %mul3A_944 = arith.muli %select_n3A_940, %mul3A_943 : i32
      %add3A_945 = arith.constant 0 : i32
      %add3A_946 = arith.addi %mul3A_944, %add3A_945 : i32
      %get3A_947 = arith.index_cast %add3A_946 : i32 to index
      %get3A_948 = tpu.vector_load %arg10[%get3A_947] {strides = array<i32>} : memref<1600xi32, #tpu.memory_space<vmem>>, vector<16xi32>,
      %add3A_949 = vector.broadcast %mul3A_942 : i32 to vector<16xi32>
      %add3A_950 = arith.addi %get3A_948, %add3A_949 : vector<16xi32>
      %mul3A_951 = arith.constant 64 : i32
      %mul3A_952 = arith.muli %select_n3A_940, %mul3A_951 : i32
      %add3A_953 = arith.constant 0 : i32
      %add3A_954 = arith.addi %mul3A_952, %add3A_953 : i32
      %get3A_955 = arith.index_cast %add3A_954 : i32 to index
      %get3A_956 = tpu.vector_load %arg11[%get3A_955] {strides = array<i32>} : memref<1600xi32, #tpu.memory_space<vmem>>, vector<16xi32>,
      %gather3A_957 = tpu.vector_load_idx %arg9[%add3A_950, %get3A_956] : memref<512x100xi32, #tpu.memory_space<vmem>>[vector<16xi32>, vector<16xi32>], vector<16xi32>,
      %swap3A_958 = arith.constant 0 : index
      %swap3A_959 = tpu.vector_load %arg16[%swap3A_958] {strides = array<i32>} : memref<64xi32, #tpu.memory_space<vmem>>, vector<16xi32>,
      tpu.vector_store %arg16[%swap3A_958], %gather3A_957 {strides = array<i32>} : memref<64xi32, #tpu.memory_space<vmem>>, vector<16xi32>,
      %mul3A_960 = arith.constant 64 : i32
      %mul3A_961 = arith.muli %select_n3A_940, %mul3A_960 : i32
      %add3A_962 = arith.constant 16 : i32
      %add3A_963 = arith.addi %mul3A_961, %add3A_962 : i32
      %get3A_964 = arith.index_cast %add3A_963 : i32 to index
      %get3A_965 = tpu.vector_load %arg10[%get3A_964] {strides = array<i32>} : memref<1600xi32, #tpu.memory_space<vmem>>, vector<16xi32>,
      %add3A_966 = vector.broadcast %mul3A_942 : i32 to vector<16xi32>
      %add3A_967 = arith.addi %get3A_965, %add3A_966 : vector<16xi32>
      %mul3A_968 = arith.constant 64 : i32
      %mul3A_969 = arith.muli %select_n3A_940, %mul3A_968 : i32
      %add3A_970 = arith.constant 16 : i32
      %add3A_971 = arith.addi %mul3A_969, %add3A_970 : i32
      %get3A_972 = arith.index_cast %add3A_971 : i32 to index
      %get3A_973 = tpu.vector_load %arg11[%get3A_972] {strides = array<i32>} : memref<1600xi32, #tpu.memory_space<vmem>>, vector<16xi32>,
      %gather3A_974 = tpu.vector_load_idx %arg9[%add3A_967, %get3A_973] : memref<512x100xi32, #tpu.memory_space<vmem>>[vector<16xi32>, vector<16xi32>], vector<16xi32>,
      %swap3A_975 = arith.constant 16 : index
      %swap3A_976 = tpu.vector_load %arg16[%swap3A_975] {strides = array<i32>} : memref<64xi32, #tpu.memory_space<vmem>>, vector<16xi32>,
      tpu.vector_store %arg16[%swap3A_975], %gather3A_974 {strides = array<i32>} : memref<64xi32, #tpu.memory_space<vmem>>, vector<16xi32>,
      %mul3A_977 = arith.constant 64 : i32
      %mul3A_978 = arith.muli %select_n3A_940, %mul3A_977 : i32
      %add3A_979 = arith.constant 32 : i32
      %add3A_980 = arith.addi %mul3A_978, %add3A_979 : i32
      %get3A_981 = arith.index_cast %add3A_980 : i32 to index
      %get3A_982 = tpu.vector_load %arg10[%get3A_981] {strides = array<i32>} : memref<1600xi32, #tpu.memory_space<vmem>>, vector<16xi32>,
      %add3A_983 = vector.broadcast %mul3A_942 : i32 to vector<16xi32>
      %add3A_984 = arith.addi %get3A_982, %add3A_983 : vector<16xi32>
      %mul3A_985 = arith.constant 64 : i32
      %mul3A_986 = arith.muli %select_n3A_940, %mul3A_985 : i32
      %add3A_987 = arith.constant 32 : i32
      %add3A_988 = arith.addi %mul3A_986, %add3A_987 : i32
      %get3A_989 = arith.index_cast %add3A_988 : i32 to index
      %get3A_990 = tpu.vector_load %arg11[%get3A_989] {strides = array<i32>} : memref<1600xi32, #tpu.memory_space<vmem>>, vector<16xi32>,
      %gather3A_991 = tpu.vector_load_idx %arg9[%add3A_984, %get3A_990] : memref<512x100xi32, #tpu.memory_space<vmem>>[vector<16xi32>, vector<16xi32>], vector<16xi32>,
      %swap3A_992 = arith.constant 32 : index
      %swap3A_993 = tpu.vector_load %arg16[%swap3A_992] {strides = array<i32>} : memref<64xi32, #tpu.memory_space<vmem>>, vector<16xi32>,
      tpu.vector_store %arg16[%swap3A_992], %gather3A_991 {strides = array<i32>} : memref<64xi32, #tpu.memory_space<vmem>>, vector<16xi32>,
      %mul3A_994 = arith.constant 64 : i32
      %mul3A_995 = arith.muli %select_n3A_940, %mul3A_994 : i32
      %add3A_996 = arith.constant 48 : i32
      %add3A_997 = arith.addi %mul3A_995, %add3A_996 : i32
      %get3A_998 = arith.index_cast %add3A_997 : i32 to index
      %get3A_999 = tpu.vector_load %arg10[%get3A_998] {strides = array<i32>} : memref<1600xi32, #tpu.memory_space<vmem>>, vector<16xi32>,
      %add3A_1000 = vector.broadcast %mul3A_942 : i32 to vector<16xi32>
      %add3A_1001 = arith.addi %get3A_999, %add3A_1000 : vector<16xi32>
      %mul3A_1002 = arith.constant 64 : i32
      %mul3A_1003 = arith.muli %select_n3A_940, %mul3A_1002 : i32
      %add3A_1004 = arith.constant 48 : i32
      %add3A_1005 = arith.addi %mul3A_1003, %add3A_1004 : i32
      %get3A_1006 = arith.index_cast %add3A_1005 : i32 to index
      %get3A_1007 = tpu.vector_load %arg11[%get3A_1006] {strides = array<i32>} : memref<1600xi32, #tpu.memory_space<vmem>>, vector<16xi32>,
      %gather3A_1008 = tpu.vector_load_idx %arg9[%add3A_1001, %get3A_1007] : memref<512x100xi32, #tpu.memory_space<vmem>>[vector<16xi32>, vector<16xi32>], vector<16xi32>,
      %swap3A_1009 = arith.constant 48 : index
      %swap3A_1010 = tpu.vector_load %arg16[%swap3A_1009] {strides = array<i32>} : memref<64xi32, #tpu.memory_space<vmem>>, vector<16xi32>,
      tpu.vector_store %arg16[%swap3A_1009], %gather3A_1008 {strides = array<i32>} : memref<64xi32, #tpu.memory_space<vmem>>, vector<16xi32>,
      %dma_start3A_1011 = arith.constant 0 : i32
      %dma_start3A_1012 = arith.constant 0 : i32
      %dma_start3A_1013 = tpu.memref_slice %arg8[%dma_start3A_1011, %dma_start3A_1012] : memref<256x128xf32, #tpu.memory_space<vmem_shared>> -> memref<256x128xf32, #tpu.memory_space<vmem_shared>>
      tpu.enqueue_indirect_dma source(%dma_start3A_1013 : memref<256x128xf32, #tpu.memory_space<vmem_shared>>) target(%arg21 : memref<64x128xf32, #tpu.memory_space<vmem>>) offsets(%arg16 : memref<64xi32, #tpu.memory_space<vmem>>) semaphore(%arg26 : memref<!tpu.dma_semaphore, #tpu.memory_space<semaphore_mem>>)
    }
    %scan3A_222 = arith.constant 159 : i32
    %dma_wait3A = arith.constant 0 : i32
    %dma_wait3A_223 = arith.constant 0 : i32
    %dma_wait3A_224 = tpu.memref_slice %arg7[%dma_wait3A, %dma_wait3A_223] : memref<1638400x128xf32, #tpu.memory_space<hbm>> -> memref<64x128xf32, #tpu.memory_space<hbm>>
    %dma_wait3A_225 = arith.constant 0 : i32
    %dma_wait3A_226 = arith.constant 0 : i32
    %dma_wait3A_227 = tpu.memref_slice %arg7[%dma_wait3A_225, %dma_wait3A_226] : memref<1638400x128xf32, #tpu.memory_space<hbm>> -> memref<64x128xf32, #tpu.memory_space<hbm>>
    tpu.wait_dma2 semaphore(%arg22 : memref<!tpu.dma_semaphore, #tpu.memory_space<semaphore_mem>>) src(%dma_wait3A_227 : memref<64x128xf32, #tpu.memory_space<hbm>>) dst(%arg17 : memref<64x128xf32, #tpu.memory_space<vmem>>)
    %add3A_228 = arith.constant 50880 : i32
    %add3A_229 = arith.addi %mul3A_2, %add3A_228 : i32
    %dma_start3A_230 = arith.constant 0 : i32
    %dma_start3A_231 = tpu.memref_slice %arg7[%add3A_229, %dma_start3A_230] : memref<1638400x128xf32, #tpu.memory_space<hbm>> -> memref<64x128xf32, #tpu.memory_space<hbm>>
    %dma_start3A_232 = arith.constant 0 : i32
    %dma_start3A_233 = tpu.memref_slice %arg7[%add3A_229, %dma_start3A_232] : memref<1638400x128xf32, #tpu.memory_space<hbm>> -> memref<64x128xf32, #tpu.memory_space<hbm>>
    tpu.enqueue_dma source(%arg17 : memref<64x128xf32, #tpu.memory_space<vmem>>) target(%dma_start3A_233 : memref<64x128xf32, #tpu.memory_space<hbm>>) target_semaphore(%arg27 : memref<!tpu.dma_semaphore, #tpu.memory_space<semaphore_mem>>)
    %dma_wait3A_234 = arith.constant 0 : i32
    %dma_wait3A_235 = arith.constant 0 : i32
    %dma_wait3A_236 = tpu.memref_slice %arg7[%dma_wait3A_234, %dma_wait3A_235] : memref<1638400x128xf32, #tpu.memory_space<hbm>> -> memref<64x128xf32, #tpu.memory_space<hbm>>
    %dma_wait3A_237 = arith.constant 0 : i32
    %dma_wait3A_238 = arith.constant 0 : i32
    %dma_wait3A_239 = tpu.memref_slice %arg7[%dma_wait3A_237, %dma_wait3A_238] : memref<1638400x128xf32, #tpu.memory_space<hbm>> -> memref<64x128xf32, #tpu.memory_space<hbm>>
    tpu.wait_dma2 semaphore(%arg23 : memref<!tpu.dma_semaphore, #tpu.memory_space<semaphore_mem>>) src(%dma_wait3A_239 : memref<64x128xf32, #tpu.memory_space<hbm>>) dst(%arg18 : memref<64x128xf32, #tpu.memory_space<vmem>>)
    %add3A_240 = arith.constant 50944 : i32
    %add3A_241 = arith.addi %mul3A_2, %add3A_240 : i32
    %dma_start3A_242 = arith.constant 0 : i32
    %dma_start3A_243 = tpu.memref_slice %arg7[%add3A_241, %dma_start3A_242] : memref<1638400x128xf32, #tpu.memory_space<hbm>> -> memref<64x128xf32, #tpu.memory_space<hbm>>
    %dma_start3A_244 = arith.constant 0 : i32
    %dma_start3A_245 = tpu.memref_slice %arg7[%add3A_241, %dma_start3A_244] : memref<1638400x128xf32, #tpu.memory_space<hbm>> -> memref<64x128xf32, #tpu.memory_space<hbm>>
    tpu.enqueue_dma source(%arg18 : memref<64x128xf32, #tpu.memory_space<vmem>>) target(%dma_start3A_245 : memref<64x128xf32, #tpu.memory_space<hbm>>) target_semaphore(%arg28 : memref<!tpu.dma_semaphore, #tpu.memory_space<semaphore_mem>>)
    %dma_wait3A_246 = arith.constant 0 : i32
    %dma_wait3A_247 = arith.constant 0 : i32
    %dma_wait3A_248 = tpu.memref_slice %arg7[%dma_wait3A_246, %dma_wait3A_247] : memref<1638400x128xf32, #tpu.memory_space<hbm>> -> memref<64x128xf32, #tpu.memory_space<hbm>>
    %dma_wait3A_249 = arith.constant 0 : i32
    %dma_wait3A_250 = arith.constant 0 : i32
    %dma_wait3A_251 = tpu.memref_slice %arg7[%dma_wait3A_249, %dma_wait3A_250] : memref<1638400x128xf32, #tpu.memory_space<hbm>> -> memref<64x128xf32, #tpu.memory_space<hbm>>
    tpu.wait_dma2 semaphore(%arg24 : memref<!tpu.dma_semaphore, #tpu.memory_space<semaphore_mem>>) src(%dma_wait3A_251 : memref<64x128xf32, #tpu.memory_space<hbm>>) dst(%arg19 : memref<64x128xf32, #tpu.memory_space<vmem>>)
    %add3A_252 = arith.constant 51008 : i32
    %add3A_253 = arith.addi %mul3A_2, %add3A_252 : i32
    %dma_start3A_254 = arith.constant 0 : i32
    %dma_start3A_255 = tpu.memref_slice %arg7[%add3A_253, %dma_start3A_254] : memref<1638400x128xf32, #tpu.memory_space<hbm>> -> memref<64x128xf32, #tpu.memory_space<hbm>>
    %dma_start3A_256 = arith.constant 0 : i32
    %dma_start3A_257 = tpu.memref_slice %arg7[%add3A_253, %dma_start3A_256] : memref<1638400x128xf32, #tpu.memory_space<hbm>> -> memref<64x128xf32, #tpu.memory_space<hbm>>
    tpu.enqueue_dma source(%arg19 : memref<64x128xf32, #tpu.memory_space<vmem>>) target(%dma_start3A_257 : memref<64x128xf32, #tpu.memory_space<hbm>>) target_semaphore(%arg29 : memref<!tpu.dma_semaphore, #tpu.memory_space<semaphore_mem>>)
    %dma_wait3A_258 = arith.constant 0 : i32
    %dma_wait3A_259 = arith.constant 0 : i32
    %dma_wait3A_260 = tpu.memref_slice %arg7[%dma_wait3A_258, %dma_wait3A_259] : memref<1638400x128xf32, #tpu.memory_space<hbm>> -> memref<64x128xf32, #tpu.memory_space<hbm>>
    %dma_wait3A_261 = arith.constant 0 : i32
    %dma_wait3A_262 = arith.constant 0 : i32
    %dma_wait3A_263 = tpu.memref_slice %arg7[%dma_wait3A_261, %dma_wait3A_262] : memref<1638400x128xf32, #tpu.memory_space<hbm>> -> memref<64x128xf32, #tpu.memory_space<hbm>>
    tpu.wait_dma2 semaphore(%arg25 : memref<!tpu.dma_semaphore, #tpu.memory_space<semaphore_mem>>) src(%dma_wait3A_263 : memref<64x128xf32, #tpu.memory_space<hbm>>) dst(%arg20 : memref<64x128xf32, #tpu.memory_space<vmem>>)
    %add3A_264 = arith.constant 51072 : i32
    %add3A_265 = arith.addi %mul3A_2, %add3A_264 : i32
    %dma_start3A_266 = arith.constant 0 : i32
    %dma_start3A_267 = tpu.memref_slice %arg7[%add3A_265, %dma_start3A_266] : memref<1638400x128xf32, #tpu.memory_space<hbm>> -> memref<64x128xf32, #tpu.memory_space<hbm>>
    %dma_start3A_268 = arith.constant 0 : i32
    %dma_start3A_269 = tpu.memref_slice %arg7[%add3A_265, %dma_start3A_268] : memref<1638400x128xf32, #tpu.memory_space<hbm>> -> memref<64x128xf32, #tpu.memory_space<hbm>>
    tpu.enqueue_dma source(%arg20 : memref<64x128xf32, #tpu.memory_space<vmem>>) target(%dma_start3A_269 : memref<64x128xf32, #tpu.memory_space<hbm>>) target_semaphore(%arg30 : memref<!tpu.dma_semaphore, #tpu.memory_space<semaphore_mem>>)
    %dma_wait3A_270 = arith.constant 0 : i32
    %dma_wait3A_271 = arith.constant 0 : i32
    %dma_wait3A_272 = tpu.memref_slice %arg7[%dma_wait3A_270, %dma_wait3A_271] : memref<1638400x128xf32, #tpu.memory_space<hbm>> -> memref<64x128xf32, #tpu.memory_space<hbm>>
    %dma_wait3A_273 = arith.constant 0 : i32
    %dma_wait3A_274 = arith.constant 0 : i32
    %dma_wait3A_275 = tpu.memref_slice %arg7[%dma_wait3A_273, %dma_wait3A_274] : memref<1638400x128xf32, #tpu.memory_space<hbm>> -> memref<64x128xf32, #tpu.memory_space<hbm>>
    tpu.wait_dma2 semaphore(%arg26 : memref<!tpu.dma_semaphore, #tpu.memory_space<semaphore_mem>>) src(%dma_wait3A_275 : memref<64x128xf32, #tpu.memory_space<hbm>>) dst(%arg21 : memref<64x128xf32, #tpu.memory_space<vmem>>)
    %add3A_276 = arith.constant 51136 : i32
    %add3A_277 = arith.addi %mul3A_2, %add3A_276 : i32
    %dma_start3A_278 = arith.constant 0 : i32
    %dma_start3A_279 = tpu.memref_slice %arg7[%add3A_277, %dma_start3A_278] : memref<1638400x128xf32, #tpu.memory_space<hbm>> -> memref<64x128xf32, #tpu.memory_space<hbm>>
    %dma_start3A_280 = arith.constant 0 : i32
    %dma_start3A_281 = tpu.memref_slice %arg7[%add3A_277, %dma_start3A_280] : memref<1638400x128xf32, #tpu.memory_space<hbm>> -> memref<64x128xf32, #tpu.memory_space<hbm>>
    tpu.enqueue_dma source(%arg21 : memref<64x128xf32, #tpu.memory_space<vmem>>) target(%dma_start3A_281 : memref<64x128xf32, #tpu.memory_space<hbm>>) target_semaphore(%arg31 : memref<!tpu.dma_semaphore, #tpu.memory_space<semaphore_mem>>)
    %dma_wait3A_282 = arith.constant 0 : i32
    %dma_wait3A_283 = arith.constant 0 : i32
    %dma_wait3A_284 = tpu.memref_slice %arg7[%dma_wait3A_282, %dma_wait3A_283] : memref<1638400x128xf32, #tpu.memory_space<hbm>> -> memref<64x128xf32, #tpu.memory_space<hbm>>
    %dma_wait3A_285 = arith.constant 0 : i32
    %dma_wait3A_286 = arith.constant 0 : i32
    %dma_wait3A_287 = tpu.memref_slice %arg7[%dma_wait3A_285, %dma_wait3A_286] : memref<1638400x128xf32, #tpu.memory_space<hbm>> -> memref<64x128xf32, #tpu.memory_space<hbm>>
    tpu.wait_dma2 semaphore(%arg27 : memref<!tpu.dma_semaphore, #tpu.memory_space<semaphore_mem>>) src(%arg17 : memref<64x128xf32, #tpu.memory_space<vmem>>) dst(%dma_wait3A_287 : memref<64x128xf32, #tpu.memory_space<hbm>>)
    %dma_wait3A_288 = arith.constant 0 : i32
    %dma_wait3A_289 = arith.constant 0 : i32
    %dma_wait3A_290 = tpu.memref_slice %arg7[%dma_wait3A_288, %dma_wait3A_289] : memref<1638400x128xf32, #tpu.memory_space<hbm>> -> memref<64x128xf32, #tpu.memory_space<hbm>>
    %dma_wait3A_291 = arith.constant 0 : i32
    %dma_wait3A_292 = arith.constant 0 : i32
    %dma_wait3A_293 = tpu.memref_slice %arg7[%dma_wait3A_291, %dma_wait3A_292] : memref<1638400x128xf32, #tpu.memory_space<hbm>> -> memref<64x128xf32, #tpu.memory_space<hbm>>
    tpu.wait_dma2 semaphore(%arg28 : memref<!tpu.dma_semaphore, #tpu.memory_space<semaphore_mem>>) src(%arg18 : memref<64x128xf32, #tpu.memory_space<vmem>>) dst(%dma_wait3A_293 : memref<64x128xf32, #tpu.memory_space<hbm>>)
    %dma_wait3A_294 = arith.constant 0 : i32
    %dma_wait3A_295 = arith.constant 0 : i32
    %dma_wait3A_296 = tpu.memref_slice %arg7[%dma_wait3A_294, %dma_wait3A_295] : memref<1638400x128xf32, #tpu.memory_space<hbm>> -> memref<64x128xf32, #tpu.memory_space<hbm>>
    %dma_wait3A_297 = arith.constant 0 : i32
    %dma_wait3A_298 = arith.constant 0 : i32
    %dma_wait3A_299 = tpu.memref_slice %arg7[%dma_wait3A_297, %dma_wait3A_298] : memref<1638400x128xf32, #tpu.memory_space<hbm>> -> memref<64x128xf32, #tpu.memory_space<hbm>>
    tpu.wait_dma2 semaphore(%arg29 : memref<!tpu.dma_semaphore, #tpu.memory_space<semaphore_mem>>) src(%arg19 : memref<64x128xf32, #tpu.memory_space<vmem>>) dst(%dma_wait3A_299 : memref<64x128xf32, #tpu.memory_space<hbm>>)
    %dma_wait3A_300 = arith.constant 0 : i32
    %dma_wait3A_301 = arith.constant 0 : i32
    %dma_wait3A_302 = tpu.memref_slice %arg7[%dma_wait3A_300, %dma_wait3A_301] : memref<1638400x128xf32, #tpu.memory_space<hbm>> -> memref<64x128xf32, #tpu.memory_space<hbm>>
    %dma_wait3A_303 = arith.constant 0 : i32
    %dma_wait3A_304 = arith.constant 0 : i32
    %dma_wait3A_305 = tpu.memref_slice %arg7[%dma_wait3A_303, %dma_wait3A_304] : memref<1638400x128xf32, #tpu.memory_space<hbm>> -> memref<64x128xf32, #tpu.memory_space<hbm>>
    tpu.wait_dma2 semaphore(%arg30 : memref<!tpu.dma_semaphore, #tpu.memory_space<semaphore_mem>>) src(%arg20 : memref<64x128xf32, #tpu.memory_space<vmem>>) dst(%dma_wait3A_305 : memref<64x128xf32, #tpu.memory_space<hbm>>)
    %dma_wait3A_306 = arith.constant 0 : i32
    %dma_wait3A_307 = arith.constant 0 : i32
    %dma_wait3A_308 = tpu.memref_slice %arg7[%dma_wait3A_306, %dma_wait3A_307] : memref<1638400x128xf32, #tpu.memory_space<hbm>> -> memref<64x128xf32, #tpu.memory_space<hbm>>
    %dma_wait3A_309 = arith.constant 0 : i32
    %dma_wait3A_310 = arith.constant 0 : i32
    %dma_wait3A_311 = tpu.memref_slice %arg7[%dma_wait3A_309, %dma_wait3A_310] : memref<1638400x128xf32, #tpu.memory_space<hbm>> -> memref<64x128xf32, #tpu.memory_space<hbm>>
    tpu.wait_dma2 semaphore(%arg31 : memref<!tpu.dma_semaphore, #tpu.memory_space<semaphore_mem>>) src(%arg21 : memref<64x128xf32, #tpu.memory_space<vmem>>) dst(%dma_wait3A_311 : memref<64x128xf32, #tpu.memory_space<hbm>>)
    return
  }
}

</mosaic_0001>

<sc_bundles>
// kernel: kernel.3.cloned.1.call-start
scs
__scs_entry_jumppad:
0x0: {  	(pc) =	sbr.rel $0x88, $3  }
0x1: {  	(tag) =	ssettag $0x0;
	lr =	simm.s32 $0x1  }
0x2: {  	[smem:$0x3F9E] =	sst lr;
	_ =	strace $0xD0000000  }
0x3: {  	_ = 	snop  }
0x4: {  	_ = 	snop  }
0x5: {  	_ = 	snop  }
0x6: {  	_ = 	snop  }
0x7: {  	_ = 	snop  }
__scs_overlays_trampoline_lowered:
0x8: {  	[smem:$0x3FAD] =	sst s0  }
0x9: {  	[smem:$0x3FAE] =	sst s1  }
0xa: {  	[smem:$0x3FAF] =	sst s2  }
0xb: {  	[smem:$0x3FB0] =	sst s3  }
0xc: {  	[smem:$0x3FB1] =	sst s4  }
0xd: {  	[smem:$0x3FB2] =	sst s5  }
0xe: {  	[smem:$0x3FB3] =	sst s6  }
0xf: {  	[smem:$0x3FB4] =	sst s7  }
0x10: {  	[smem:$0x3FB5] =	sst s8  }
0x11: {  	[smem:$0x3FB6] =	sst s9;
	s0 =	simm.s32 @!p0 $0x0  }
0x12: {  	s1 =	sld [smem:$0x3F9C];
	s0 =	simm.s32 @p0 $0x1  }
0x13: {  	[smem:$0x3FB7] =	sst s0;
	s0 =	simm.s32 @!p1 $0x0  }
0x14: {  	s2 =	sld [smem:$0x3F9B];
	s0 =	simm.s32 @p1 $0x1  }
0x15: {  	[smem:$0x3FB8] =	sst s0;
	s0 =	simm.s32 @!p2 $0x0  }
0x16: {  	s3 =	sld [smem:$0x3FDB];
	s0 =	simm.s32 @p2 $0x1  }
0x17: {  	s4 =	simm.s32 $0x1BF5;
	[smem:$0x3FBA] =	sst s0  }
0x18: {  	s0 =	sld [smem:$0x3F9D];
	_ =	swait.ge [sflag:s4], $0x0  }
0x19: {  	s7 =	sld [smem:$0x3F9E]  }
0x1a: {  	s8 =	sadd.s32 $0xFFFFE003, lr  }
0x1b: {  	s9 =	sadd.s32 $0xFFFFFEF7, lr;
	s5 =	simm.s32 $0xFFFFFFFF;
	p2 =	slt.u32 s8, $0xFFFFF086  }
0x1c: {  	p1 =	slt.u32 s9, $0xF7A;
	s5 =	simm.s32 @!p2 $0x0  }
0x1d: {  	s5 =	simm.s32 @p1 $0x1;
	p0 =	seq.s32 s7, s2  }
0x1e: {  	s7 =	smul.u32 @!p0 $0xF7A, s2;
	p2 =	seq.s32 @!p0 s5, $0x0  }
0x1f: {  	s9 =	smul.u32 $0xF7A, s1;
	s8 =	simm.s32 @!p0 $0x1BF5;
	p2 =	por !p2, p0  }
0x20: {  	[sflag:s8] =	ssyncset.s32 @!p0 $0xFFFFF086;
	s6 =	sadd.s32 @!p0 s3, s7;
	s7 =	simm.s32 @!p0 $0x108  }
0x21: {  	s3 =	sadd.s32 s3, s9;
	s6 =	sadd.s32 @!p0 $0x88, s6;
	s7 =	simm.s32 @p2 $0x1082  }
0x22: {  	[simem:s7], [sflag:s8] =	dma.local @!p0 [hbm:s6], $0xF7A  }
0x23: {  	s9 =	sor.u32 $0xD0000000, s2;
	s6 =	simm.s32 $0x108;
	_ =	swait.ge @!p0 [sflag:s8], $0x0  }
0x24: {  	s3 =	sadd.s32 $0x88, s3;
	s6 =	simm.s32 @!p1 $0x1082;
	[sflag:s4] =	ssyncset.s32 $0xFFFFF086  }
0x25: {  	[simem:s6], [sflag:s4] =	dma.local [hbm:s3], $0xF7A  }
0x26: {  	[smem:$0x3F9E] =	sst s1;
	(tag) =	ssettag s2;
	_ =	strace s9  }
0x27: {  	s1 =	sld [smem:$0x3FAE]  }
0x28: {  	s2 =	sld [smem:$0x3FAF]  }
0x29: {  	s4 =	sld [smem:$0x3FB1]  }
0x2a: {  	p0 =	seq.s32 s5, $0x0;
	s5 =	sld [smem:$0x3FB2]  }
0x2b: {  	s6 =	sld [smem:$0x3FB3]  }
0x2c: {  	s7 =	sld [smem:$0x3FB4]  }
0x2d: {  	s3 =	simm.s32 $0x108;
	s8 =	sld [smem:$0x3FB5]  }
0x2e: {  	s3 =	simm.s32 @!p0 $0x1082;
	s9 =	sld [smem:$0x3FB6]  }
0x2f: {  	lr =	sadd.s32 s0, s3;
	s0 =	sld [smem:$0x3FAD]  }
0x30: {  	s3 =	sld [smem:$0x3FB0]  }
0x31: {  	[smem:$0x3FB9] =	sst s10  }
0x32: {  	s10 =	sld [smem:$0x3FB7];
	_ =	sdelay $0x3  }
0x33: {  	p0 =	seq.s32 s10, $0x1;
	s10 =	sld [smem:$0x3FB9];
	_ =	sdelay $0x3  }
0x34: {  	[smem:$0x3FB9] =	sst s10  }
0x35: {  	s10 =	sld [smem:$0x3FB8];
	_ =	sdelay $0x3  }
0x36: {  	p1 =	seq.s32 s10, $0x1;
	s10 =	sld [smem:$0x3FB9];
	_ =	sdelay $0x3  }
0x37: {  	[smem:$0x3FB9] =	sst s10  }
0x38: {  	s10 =	sld [smem:$0x3FBA]  }
0x39: {  	_ = 	snop;
	(pc) =	sbr.ind lr, $3  }
0x3a: {  	_ = 	snop  }
0x3b: {  	_ = 	snop  }
0x3c: {  	p2 =	seq.s32 s10, $0x1;
	s10 =	sld [smem:$0x3FB9]  }
0x3d: {  	_ =	shalt  }
0x3e: {  	_ =	shalt  }
0x3f: {  	_ =	shalt  }
0x40: {  	_ =	shalt  }
0x41: {  	_ =	shalt  }
0x42: {  	_ =	shalt  }
0x43: {  	_ =	shalt  }
0x44: {  	_ =	shalt  }
0x45: {  	_ =	shalt  }
0x46: {  	_ =	shalt  }
0x47: {  	_ =	shalt  }
0x48: {  	_ =	shalt  }
0x49: {  	_ =	shalt  }
0x4a: {  	_ =	shalt  }
0x4b: {  	_ =	shalt  }
0x4c: {  	_ =	shalt  }
0x4d: {  	_ =	shalt  }
0x4e: {  	_ =	shalt  }
0x4f: {  	_ =	shalt  }
0x50: {  	_ =	shalt  }
0x51: {  	_ =	shalt  }
0x52: {  	_ =	shalt  }
0x53: {  	_ =	shalt  }
0x54: {  	_ =	shalt  }
0x55: {  	_ =	shalt  }
0x56: {  	_ =	shalt  }
0x57: {  	_ =	shalt  }
0x58: {  	_ =	shalt  }
0x59: {  	_ =	shalt  }
0x5a: {  	_ =	shalt  }
0x5b: {  	_ =	shalt  }
0x5c: {  	_ =	shalt  }
0x5d: {  	_ =	shalt  }
0x5e: {  	_ =	shalt  }
0x5f: {  	_ =	shalt  }
0x60: {  	_ =	shalt  }
0x61: {  	_ =	shalt  }
0x62: {  	_ =	shalt  }
0x63: {  	_ =	shalt  }
0x64: {  	_ =	shalt  }
0x65: {  	_ =	shalt  }
0x66: {  	_ =	shalt  }
0x67: {  	_ =	shalt  }
0x68: {  	_ =	shalt  }
0x69: {  	_ =	shalt  }
0x6a: {  	_ =	shalt  }
0x6b: {  	_ =	shalt  }
0x6c: {  	_ =	shalt  }
0x6d: {  	_ =	shalt  }
0x6e: {  	_ =	shalt  }
0x6f: {  	_ =	shalt  }
0x70: {  	_ =	shalt  }
0x71: {  	_ =	shalt  }
0x72: {  	_ =	shalt  }
0x73: {  	_ =	shalt  }
0x74: {  	_ =	shalt  }
0x75: {  	_ =	shalt  }
0x76: {  	_ =	shalt  }
0x77: {  	_ =	shalt  }
0x78: {  	_ =	shalt  }
0x79: {  	_ =	shalt  }
0x7a: {  	_ =	shalt  }
0x7b: {  	_ =	shalt  }
0x7c: {  	_ =	shalt  }
0x7d: {  	_ =	shalt  }
0x7e: {  	_ =	shalt  }
0x7f: {  	_ =	shalt  }
0x80: {  	_ =	shalt  }
0x81: {  	_ =	shalt  }
0x82: {  	_ =	shalt  }
0x83: {  	_ =	shalt  }
0x84: {  	_ =	shalt  }
0x85: {  	_ =	shalt  }
0x86: {  	_ =	shalt  }
0x87: {  	_ =	shalt  }
.Lfunc_end0:
.L_simem_size_0:
called_computation_lowered:
.L_overlay_start_0:
0x88: {  	s2 =	sld [smem:$0x3FD9]  }
0x89: {  	s3 =	sld [smem:$0x3FFE];
	_ =	sdelay $0x1  }
0x8a: {  	s1 =	srdreg.scid  }
0x8b: {  	s0 =	sand.u32 $0x1, s1  }
0x8c: {  	s17 =	sshll.u32 s0, $0xA;
	s2 =	sadd.s32 s3, s2  }
0x8d: {  	s2 =	sadd.s32 s2, s17  }
0x8e: {  	[smem:$0x3FC5] =	sst s2  }
0x8f: {  	_ = 	snop  }
0x90: {  	s2 =	sld [smem:$0x3FC8]  }
0x91: {  	s18 =	sld [smem:$0x3FC7]  }
0x92: {  	s4 =	sld [smem:$0x3FD0];
	(tm) =	ssettm $0x1  }
0x93: {  	s5 =	sld [smem:$0x3FFB];
	_ =	sdelay $0x3  }
0x94: {  	_ =	strace s5  }
0x95: {  	s5 =	sld [smem:$0x3FFC];
	_ =	sdelay $0x3  }
0x96: {  	_ =	strace s5  }
0x97: {  	s5 =	sld [smem:$0x3FFD];
	_ =	sdelay $0x3  }
0x98: {  	_ =	strace s5  }
0x99: {  	_ =	strace $0x8FFFFFFF  }
0x9a: {  	s19 =	sld [smem:$0x3FDB];
	_ =	sdelay $0x1  }
0x9b: {  	s6 =	simm.s32 $_scs_section_size  }
0x9c: {  	s7 =	simm.s32 $_size__tile_overlayer_lowered;
	s8 =	simm.s32 $_tile_overlayer_lowered  }
0x9d: {  	s22 =	simm.s32 $0x1BFF;
	s21 =	sshll.u32 s8, $0x1;
	s5 =	sadd.s32 s6, s19  }
0x9e: {  	s9 =	simm.s32 $0x0;
	s20 =	sshll.u32 s7, $0x1;
	s7 =	sadd.s32 s21, s5  }
0x9f: {  	[timem:s9], [sflag:s22] =	dma.local [hbm:s7], s20  }
0xa0: {  	_ =	swait.ge [sflag:s22], s20  }
0xa1: {  	s6 =	ssub.s32 $0x0, s20;
	[sflag:s22] =	ssyncset.done $0x0  }
0xa2: {  	[sflag:s22] =	ssyncadd.s32 s6;
	_ =	sdelay $0x1  }
0xa3: {  	s23 =	simm.s32 $0x1B8B  }
0xa4: {  	_ =	swait.ge [sflag:s23], $0x1  }
0xa5: {  	[sflag:s23] =	ssyncset.done $0x0  }
0xa6: {  	s25 =	simm.s32 $0x1B8E;
	s24 =	sld [smem:$0x3FFE];
	[sflag:s23] =	ssyncadd.s32 $0xFFFFFFFF  }
0xa7: {  	s26 =	simm.s32 $execute0_lowered;
	[smem:$0x3FD2] =	sst s25  }
0xa8: {  	s7 =	sshll.u32 s26, $0x1;
	_ =	strace $0x80000046;
	[dreg:$0x1] =	wrdreg $0xFFFFFFFF  }
0xa9: {  	s28 =	simm.s32 $_size_execute0_lowered;
	s5 =	sadd.s32 s5, s7;
	[dreg:$0x0] =	wrdreg $0x0  }
0xaa: {  	s7 =	sshll.u32 s28, $0x1;
	[dreg:$0x2] =	wrdreg s5  }
0xab: {  	[dreg:$0x3] =	wrdreg s7  }
0xac: {  	[dreg:$0x4] =	wrdreg $0xC0  }
0xad: {  	_ =	task [dreg:s9], $0x5FFFF  }
0xae: {  	[dreg:$0x1] =	wrdreg $0xFFFFFFFF  }
0xaf: {  	[dreg:$0x0] =	wrdreg $0x60  }
0xb0: {  	[dreg:$0x2] =	wrdreg s2  }
0xb1: {  	[dreg:$0x3] =	wrdreg s18  }
0xb2: {  	[dreg:$0x4] =	wrdreg s24  }
0xb3: {  	[dreg:$0x5] =	wrdreg s4  }
0xb4: {  	[dreg:$0x6] =	wrdreg $0x0  }
0xb5: {  	[dreg:$0x7] =	wrdreg $0x9  }
0xb6: {  	_ =	task.clear_ibuf [dreg:s9], $0x8FFFF;
	_ =	strace $0x90000046  }
0xb7: {  	s29 =	simm.s32 $0x9;
	_ =	strace $0x80000048  }
0xb8: {  	_ =	swait.ge [sflag:s29], $0x1  }
0xb9: {  	[sflag:s29] =	ssyncadd.s32 $0xFFFFFFFF  }
0xba: {  	_ =	strace $0x90000048  }
0xbb: {  	_ =	sfence  }
0xbc: {  	s30 =	sld [smem:$0x0];
	_ =	sdelay $0x2  }
0xbd: {  	s31 =	sshll.u32 s1, $0xD;
	s1 =	sshrl.u32 s1, $0x2  }
0xbe: {  	s3 =	sand.u32 $0x4000, s31;
	s1 =	sadd.s32 s1, s30  }
0xbf: {  	s0 =	sor.u32 s3, s0;
	s1 =	sshll.u32 s1, $0x11  }
0xc0: {  	s0 =	sor.u32 s1, s0  }
0xc1: {  	s0 =	sadd.s32 $0x8F2B, s0  }
0xc2: {  	[sflag:s0] =	ssyncadd.remote.s32 $0x1  }
0xc3: {  	_ =	sfence.sel $0xFFFF  }
0xc4: {  	[dreg:$0x0] =	wrdreg $0xFFFFFFFF;
	(pc) =	sbr.abs _section_cstart, $3  }
0xc5: {  	[dreg:$0x1] =	wrdreg $0xFFFFFFFF  }
0xc6: {  	_ =	task.clear_ibuf [dreg:s9], $0x2FFFF;
	_ =	strace $0x9FFFFFFF  }
0xc7: {  	(tm) =	ssettm $0x7FFFFFFF  }
tec
execute0_lowered:
.L_overlay_start_1:
0x0: {  	(tag) =	ssettag $0x1  }
0x1: {  	s0 =	rddreg [dreg:$0x2]  }
0x2: {  	s1 =	rddreg [dreg:$0x3]  }
0x3: {  	s3 =	rddreg [dreg:$0x4]  }
0x4: {  	s2 =	srdreg.scid;
	s5 =	stileid.u32  }
0x5: {  	s4 =	simm.s32 $0x0;
	s16 =	simm.s32 $0x800;
	s20 =	simm.s32 $0x40  }
0x6: {  	s28 =	simm.s32 $0x11680;
	s29 =	simm.s32 $0x17780;
	s30 =	simm.s32 $0x11700  }
0x7: {  	s31 =	simm.s32 $0x19780;
	s18 =	simm.s32 $0x4;
	s19 =	simm.s32 $0x5  }
0x8: {  	s10 =	simm.s32 $0x0;
	s2 =	sand.u32 $0x1, s2;
	s6 =	sshll.u32 s5, $0x1  }
0x9: {  	[smem:$0x7FF] =	sst s4;
	s9 =	sadd.s32 $0x40A00, s0;
	s22 =	smul.u32 $0x190000, s5  }
0xa: {  	p0 =	sne.s32 s5, $0x0;
	s6 =	sor.u32 s2, s6;
	_ =	strace $0x80000047  }
0xb: {  	s8 =	ssub.s32 $0x2, s2;
	[dreg:$0x7] =	wrdreg s9;
	s7 =	sshll.u32 s6, $0xD  }
0xc: {  	s6 =	smul.u32 $0x640000, s6;
	s7 =	sadd.s32 s7, s0;
	s0 =	sadd.s32 $0x40800, s0  }
0xd: {  	s5 =	simm.s32 $0x6;
	s21 =	sshrl.u32 s8, $0x1;
	[dreg:$0x8] =	wrdreg s0  }
0xe: {  	s0 =	ssub.s32 s8, s21;
	s6 =	sshrl.u32 s6, $0x3;
	s7 =	sadd.s32 $0x800, s7  }
0xf: {  	[dreg:$0x9] =	wrdreg s7;
	s6 =	sadd.s32 s1, s6;
	s0 =	smax.u32 s0, $0x1  }
0x10: {  	s2 =	smul.u32 $0xC8000, s2;
	s23 =	sadd.s32 $0xC6C00, s6;
	[dreg:$0xf] =	wrdreg s0  }
0x11: {  	s9 =	simm.s32 $0xA;
	s24 =	sadd.s32 $0xC7000, s6;
	[dreg:$0xa] =	wrdreg s23  }
0x12: {  	s8 =	sadd.s32 $0x7F80, s3;
	s25 =	sadd.s32 $0xC7400, s6;
	[dreg:$0xb] =	wrdreg s24  }
0x13: {  	s21 =	simm.s32 $0x11500;
	s26 =	sadd.s32 $0xC7800, s6;
	[dreg:$0xc] =	wrdreg s25  }
0x14: {  	s1 =	sadd.s32 s22, s1;
	s6 =	sadd.s32 $0xC7C00, s6;
	[dreg:$0xd] =	wrdreg s26  }
0x15: {  	s22 =	simm.s32 $0x11780;
	s1 =	sadd.s32 s2, s1;
	[dreg:$0xe] =	wrdreg s6  }
0x16: {  	s7 =	simm.s32 $0x8;
	s0 =	sshrl.u32 @!p0 s3, $0x3;
	[dreg:$0x6] =	wrdreg s1  }
0x17: {  	s2 =	simm.s32 $0x3;
	[dreg:$0x10] =	wrdreg s0;
	s0 =	sshrl.u32 @!p0 s8, $0x3  }
0x18: {  	s23 =	simm.s32 $0x11580;
	s24 =	simm.s32 $0x13780;
	s25 =	simm.s32 $0x11600  }
0x19: {  	s26 =	simm.s32 $0x15780;
	s1 =	simm.s32 $0x2;
	s6 =	simm.s32 $0x7  }
0x1a: {  	s8 =	simm.s32 $0x9;
	[dreg:$0x11] =	wrdreg s0;
	s0 =	simm.s32 $0x1  }
.LBB2_1:
0x1b: {  	s12 =	rddreg [dreg:$0x0]  }
0x1c: {  	s11 =	simm.s32 @!p0 $0x1C0B;
	s13 =	rddreg [dreg:$0x10]  }
0x1d: {  	[spmem:s13], [sflag:s11] =	dma.local @!p0 [hbm:s12], $0xFF0  }
0x1e: {  	s12 =	simm.s32 @!p0 $0xB  }
0x1f: {  	_ =	swait.ge @!p0 [sflag:s12], $0xFF0  }
0x20: {  	[sflag:s12] =	ssyncset.done @!p0 $0x0  }
0x21: {  	s14 =	rddreg [dreg:$0x11];
	[sflag:s12] =	ssyncadd.s32 @!p0 $0xFFFFF010  }
0x22: {  	s13 =	rddreg [dreg:$0x1]  }
0x23: {  	[spmem:s14], [sflag:s11] =	dma.local @!p0 [hbm:s13], $0x10  }
0x24: {  	_ =	swait.ge @!p0 [sflag:s12], $0x10  }
0x25: {  	[sflag:s12] =	ssyncset.done @!p0 $0x0  }
0x26: {  	[sflag:s12] =	ssyncadd.s32 @!p0 $0xFFFFFFF0;
	s12 =	rddreg [dreg:$0x9]  }
0x27: {  	[tilespmem:s16], [sflag:$0xB] =	stream.linear.gather [hbm4b:s12+s4], $0x10000, $0x38;
	[tilespmem:$0x1B780] =	vst v63  }
0x28: {  	s12 =	simm.s32 $0xB  }
0x29: {  	_ =	swait.ge [sflag:s12], $0x10000  }
0x2a: {  	[sflag:s12] =	ssyncset.done $0x0  }
0x2b: {  	s14 =	simm.s32 $0x10800;
	s13 =	rddreg [dreg:$0x7];
	[sflag:s12] =	ssyncadd.s32 $0xFFFF0000  }
0x2c: {  	[tilespmem:s14], [sflag:$0xB] =	stream.linear.gather [hbm4b:s13+s4], $0x680, $0x38;
	[tilespmem:$0x1B780] =	vst v63  }
0x2d: {  	_ =	swait.ge [sflag:s12], $0x680  }
0x2e: {  	[sflag:s12] =	ssyncset.done $0x0  }
0x2f: {  	s17 =	simm.s32 $0x10E80;
	s15 =	rddreg [dreg:$0x8];
	[sflag:s12] =	ssyncadd.s32 $0xFFFFF980  }
0x30: {  	[tilespmem:s17], [sflag:$0xB] =	stream.linear.gather [hbm4b:s15+s4], $0x680, $0x38;
	[tilespmem:$0x1B780] =	vst v63  }
0x31: {  	_ =	swait.ge [sflag:s12], $0x680  }
0x32: {  	[sflag:s12] =	ssyncset.done $0x0  }
0x33: {  	[sflag:s12] =	ssyncadd.s32 $0xFFFFF980  }
0x34: {  	[bflag:$0x0] =	sbarrier.arrive $0xFFFF  }
0x35: {  	v0 =	vld [tilespmem:$0x10800]  }
0x36: {  	v1 =	vld [tilespmem:$0x10E80];
	_ =	sdelay $0x4  }
0x37: {  	v3 =	vld [tilespmem:$0x10810];
	v2 =	vand.u32 $0xFFFFFF80, v1;
	v0 =	vshll.u32 v0, $0x7  }
0x38: {  	v60 =	vld [tilespmem:$0x10E90];
	v1 =	vand.u32 $0x7F, v1;
	v0 =	vadd.s32 v0, v2  }
0x39: {  	v0 =	vor.u32 v1, v0;
	_ =	sdelay $0x2  }
0x3a: {  	v62 =	vld [tilespmem:$0x10820]  }
0x3b: {  	v63 =	vld [tilespmem:$0x10EA0];
	v61 =	vand.u32 $0xFFFFFF80, v60;
	v3 =	vshll.u32 v3, $0x7  }
0x3c: {  	v2 =	vand.u32 $0x7F, v60;
	v1 =	vadd.s32 v3, v61;
	v0 =	vld.idx.msk [tilespmem:v0+s16+$0x0], $0xffff  }
0x3d: {  	v1 =	vor.u32 v2, v1;
	_ =	sdelay $0x2  }
0x3e: {  	v4 =	vld [tilespmem:$0x10830]  }
0x3f: {  	v9 =	vld [tilespmem:$0x10EB0];
	v8 =	vand.u32 $0xFFFFFF80, v63;
	v2 =	vshll.u32 v62, $0x7;
	[tilespmem:$0x11500] =	vst v0  }
0x40: {  	v3 =	vand.u32 $0x7F, v63;
	v0 =	vld.idx.msk [tilespmem:v1+s16+$0x0], $0xffff;
	v1 =	vadd.s32 v2, v8  }
0x41: {  	v1 =	vor.u32 v3, v1;
	_ =	sdelay $0x3  }
0x42: {  	v10 =	vand.u32 $0xFFFFFF80, v9;
	v11 =	vshll.u32 v4, $0x7;
	[tilespmem:$0x11510] =	vst v0  }
0x43: {  	v2 =	vand.u32 $0x7F, v9;
	v0 =	vadd.s32 v11, v10;
	v1 =	vld.idx.msk [tilespmem:v1+s16+$0x0], $0xffff  }
0x44: {  	v0 =	vor.u32 v2, v0;
	_ =	sdelay $0x3  }
0x45: {  	[tilespmem:$0x11520] =	vst v1  }
0x46: {  	v0 =	vld.idx.msk [tilespmem:v0+s16+$0x0], $0xffff;
	_ =	sdelay $0x4  }
0x47: {  	[tilespmem:$0x11530] =	vst v0  }
0x48: {  	[tilespmem:s22], [sflag:$0x1] =	stream.indirect.gather [spmem:s3], $0x80, s21, s20, $0xb8;
	[tilespmem:$0x1B780] =	vst v63  }
0x49: {  	v12 =	vld [tilespmem:$0x10840]  }
0x4a: {  	v13 =	vld [tilespmem:$0x10EC0];
	_ =	sdelay $0x4  }
0x4b: {  	v15 =	vld [tilespmem:$0x10850];
	v14 =	vand.u32 $0xFFFFFF80, v13;
	v0 =	vshll.u32 v12, $0x7  }
0x4c: {  	v16 =	vld [tilespmem:$0x10ED0];
	v1 =	vand.u32 $0x7F, v13;
	v0 =	vadd.s32 v0, v14  }
0x4d: {  	v0 =	vor.u32 v1, v0;
	_ =	sdelay $0x2  }
0x4e: {  	v18 =	vld [tilespmem:$0x10860]  }
0x4f: {  	v19 =	vld [tilespmem:$0x10EE0];
	v17 =	vand.u32 $0xFFFFFF80, v16;
	v3 =	vshll.u32 v15, $0x7  }
0x50: {  	v2 =	vand.u32 $0x7F, v16;
	v1 =	vadd.s32 v3, v17;
	v0 =	vld.idx.msk [tilespmem:v0+s16+$0x0], $0xffff  }
0x51: {  	v1 =	vor.u32 v2, v1;
	_ =	sdelay $0x2  }
0x52: {  	v21 =	vld [tilespmem:$0x10870]  }
0x53: {  	v22 =	vld [tilespmem:$0x10EF0];
	v20 =	vand.u32 $0xFFFFFF80, v19;
	v2 =	vshll.u32 v18, $0x7;
	[tilespmem:$0x11580] =	vst v0  }
0x54: {  	v3 =	vand.u32 $0x7F, v19;
	v0 =	vld.idx.msk [tilespmem:v1+s16+$0x0], $0xffff;
	v1 =	vadd.s32 v2, v20  }
0x55: {  	v1 =	vor.u32 v3, v1;
	_ =	sdelay $0x3  }
0x56: {  	v23 =	vand.u32 $0xFFFFFF80, v22;
	v24 =	vshll.u32 v21, $0x7;
	[tilespmem:$0x11590] =	vst v0  }
0x57: {  	v2 =	vand.u32 $0x7F, v22;
	v0 =	vadd.s32 v24, v23;
	v1 =	vld.idx.msk [tilespmem:v1+s16+$0x0], $0xffff  }
0x58: {  	v0 =	vor.u32 v2, v0;
	_ =	sdelay $0x3  }
0x59: {  	[tilespmem:$0x115A0] =	vst v1  }
0x5a: {  	v0 =	vld.idx.msk [tilespmem:v0+s16+$0x0], $0xffff;
	_ =	sdelay $0x4  }
0x5b: {  	[tilespmem:$0x115B0] =	vst v0  }
0x5c: {  	[tilespmem:s24], [sflag:$0x2] =	stream.indirect.gather [spmem:s3], $0x80, s23, s20, $0xb8;
	[tilespmem:$0x1B780] =	vst v63  }
0x5d: {  	v25 =	vld [tilespmem:$0x10880]  }
0x5e: {  	v26 =	vld [tilespmem:$0x10F00];
	_ =	sdelay $0x4  }
0x5f: {  	v28 =	vld [tilespmem:$0x10890];
	v27 =	vand.u32 $0xFFFFFF80, v26;
	v0 =	vshll.u32 v25, $0x7  }
0x60: {  	v29 =	vld [tilespmem:$0x10F10];
	v1 =	vand.u32 $0x7F, v26;
	v0 =	vadd.s32 v0, v27  }
0x61: {  	v0 =	vor.u32 v1, v0;
	_ =	sdelay $0x2  }
0x62: {  	v31 =	vld [tilespmem:$0x108A0]  }
0x63: {  	v32 =	vld [tilespmem:$0x10F20];
	v30 =	vand.u32 $0xFFFFFF80, v29;
	v3 =	vshll.u32 v28, $0x7  }
0x64: {  	v2 =	vand.u32 $0x7F, v29;
	v1 =	vadd.s32 v3, v30;
	v0 =	vld.idx.msk [tilespmem:v0+s16+$0x0], $0xffff  }
0x65: {  	v1 =	vor.u32 v2, v1;
	_ =	sdelay $0x2  }
0x66: {  	v34 =	vld [tilespmem:$0x108B0]  }
0x67: {  	v35 =	vld [tilespmem:$0x10F30];
	v33 =	vand.u32 $0xFFFFFF80, v32;
	v2 =	vshll.u32 v31, $0x7;
	[tilespmem:$0x11600] =	vst v0  }
0x68: {  	v3 =	vand.u32 $0x7F, v32;
	v0 =	vld.idx.msk [tilespmem:v1+s16+$0x0], $0xffff;
	v1 =	vadd.s32 v2, v33  }
0x69: {  	v1 =	vor.u32 v3, v1;
	_ =	sdelay $0x3  }
0x6a: {  	v36 =	vand.u32 $0xFFFFFF80, v35;
	v37 =	vshll.u32 v34, $0x7;
	[tilespmem:$0x11610] =	vst v0  }
0x6b: {  	v2 =	vand.u32 $0x7F, v35;
	v0 =	vadd.s32 v37, v36;
	v1 =	vld.idx.msk [tilespmem:v1+s16+$0x0], $0xffff  }
0x6c: {  	v0 =	vor.u32 v2, v0;
	_ =	sdelay $0x3  }
0x6d: {  	[tilespmem:$0x11620] =	vst v1  }
0x6e: {  	v0 =	vld.idx.msk [tilespmem:v0+s16+$0x0], $0xffff;
	_ =	sdelay $0x4  }
0x6f: {  	[tilespmem:$0x11630] =	vst v0  }
0x70: {  	[tilespmem:s26], [sflag:$0x3] =	stream.indirect.gather [spmem:s3], $0x80, s25, s20, $0xb8;
	[tilespmem:$0x1B780] =	vst v63  }
0x71: {  	v38 =	vld [tilespmem:$0x108C0]  }
0x72: {  	v39 =	vld [tilespmem:$0x10F40];
	_ =	sdelay $0x4  }
0x73: {  	v41 =	vld [tilespmem:$0x108D0];
	v40 =	vand.u32 $0xFFFFFF80, v39;
	v0 =	vshll.u32 v38, $0x7  }
0x74: {  	v42 =	vld [tilespmem:$0x10F50];
	v1 =	vand.u32 $0x7F, v39;
	v0 =	vadd.s32 v0, v40  }
0x75: {  	v0 =	vor.u32 v1, v0;
	_ =	sdelay $0x2  }
0x76: {  	v44 =	vld [tilespmem:$0x108E0]  }
0x77: {  	v45 =	vld [tilespmem:$0x10F60];
	v43 =	vand.u32 $0xFFFFFF80, v42;
	v3 =	vshll.u32 v41, $0x7  }
0x78: {  	v2 =	vand.u32 $0x7F, v42;
	v1 =	vadd.s32 v3, v43;
	v0 =	vld.idx.msk [tilespmem:v0+s16+$0x0], $0xffff  }
0x79: {  	v1 =	vor.u32 v2, v1;
	_ =	sdelay $0x2  }
0x7a: {  	v47 =	vld [tilespmem:$0x108F0]  }
0x7b: {  	v48 =	vld [tilespmem:$0x10F70];
	v46 =	vand.u32 $0xFFFFFF80, v45;
	v2 =	vshll.u32 v44, $0x7;
	[tilespmem:$0x11680] =	vst v0  }
0x7c: {  	v3 =	vand.u32 $0x7F, v45;
	v0 =	vld.idx.msk [tilespmem:v1+s16+$0x0], $0xffff;
	v1 =	vadd.s32 v2, v46  }
0x7d: {  	v1 =	vor.u32 v3, v1;
	_ =	sdelay $0x3  }
0x7e: {  	v49 =	vand.u32 $0xFFFFFF80, v48;
	v50 =	vshll.u32 v47, $0x7;
	[tilespmem:$0x11690] =	vst v0  }
0x7f: {  	v2 =	vand.u32 $0x7F, v48;
	v0 =	vadd.s32 v50, v49;
	v1 =	vld.idx.msk [tilespmem:v1+s16+$0x0], $0xffff  }
0x80: {  	v0 =	vor.u32 v2, v0;
	_ =	sdelay $0x3  }
0x81: {  	[tilespmem:$0x116A0] =	vst v1  }
0x82: {  	v0 =	vld.idx.msk [tilespmem:v0+s16+$0x0], $0xffff;
	_ =	sdelay $0x4  }
0x83: {  	[tilespmem:$0x116B0] =	vst v0  }
0x84: {  	[tilespmem:s29], [sflag:$0x4] =	stream.indirect.gather [spmem:s3], $0x80, s28, s20, $0xb8;
	[tilespmem:$0x1B780] =	vst v63  }
0x85: {  	v51 =	vld [tilespmem:$0x10900]  }
0x86: {  	v52 =	vld [tilespmem:$0x10F80];
	_ =	sdelay $0x4  }
0x87: {  	v54 =	vld [tilespmem:$0x10910];
	v53 =	vand.u32 $0xFFFFFF80, v52;
	v0 =	vshll.u32 v51, $0x7  }
0x88: {  	v55 =	vld [tilespmem:$0x10F90];
	v1 =	vand.u32 $0x7F, v52;
	v0 =	vadd.s32 v0, v53  }
0x89: {  	v0 =	vor.u32 v1, v0;
	_ =	sdelay $0x2  }
0x8a: {  	v57 =	vld [tilespmem:$0x10920]  }
0x8b: {  	v58 =	vld [tilespmem:$0x10FA0];
	v56 =	vand.u32 $0xFFFFFF80, v55;
	v3 =	vshll.u32 v54, $0x7  }
0x8c: {  	v2 =	vand.u32 $0x7F, v55;
	v1 =	vadd.s32 v3, v56;
	v0 =	vld.idx.msk [tilespmem:v0+s16+$0x0], $0xffff  }
0x8d: {  	v1 =	vor.u32 v2, v1;
	_ =	sdelay $0x2  }
0x8e: {  	v60 =	vld [tilespmem:$0x10930]  }
0x8f: {  	v61 =	vld [tilespmem:$0x10FB0];
	v59 =	vand.u32 $0xFFFFFF80, v58;
	v2 =	vshll.u32 v57, $0x7;
	[tilespmem:$0x11700] =	vst v0  }
0x90: {  	v3 =	vand.u32 $0x7F, v58;
	v0 =	vld.idx.msk [tilespmem:v1+s16+$0x0], $0xffff;
	v1 =	vadd.s32 v2, v59  }
0x91: {  	v1 =	vor.u32 v3, v1;
	_ =	sdelay $0x3  }
0x92: {  	v62 =	vand.u32 $0xFFFFFF80, v61;
	v63 =	vshll.u32 v60, $0x7;
	[tilespmem:$0x11710] =	vst v0  }
0x93: {  	v2 =	vand.u32 $0x7F, v61;
	v0 =	vadd.s32 v63, v62;
	v1 =	vld.idx.msk [tilespmem:v1+s16+$0x0], $0xffff  }
0x94: {  	v0 =	vor.u32 v2, v0;
	_ =	sdelay $0x3  }
0x95: {  	[tilespmem:$0x11720] =	vst v1  }
0x96: {  	v0 =	vld.idx.msk [tilespmem:v0+s16+$0x0], $0xffff;
	_ =	sdelay $0x4  }
0x97: {  	s11 =	simm.s32 $0x0;
	s12 =	simm.s32 $0x1;
	[tilespmem:$0x11730] =	vst v0  }
0x98: {  	[tilespmem:s31], [sflag:$0x5] =	stream.indirect.gather [spmem:s3], $0x80, s30, s20, $0xb8;
	[tilespmem:$0x1B780] =	vst v63  }
.LBB2_2:
0x99: {  	_ =	swait.ge [sflag:s0], $0x2000  }
0x9a: {  	s13 =	rddreg [dreg:$0x6];
	[sflag:s0] =	ssyncset.done $0x0  }
0x9b: {  	[sflag:s0] =	ssyncadd.s32 $0xFFFFE000;
	s14 =	sadd.s32 s11, s13  }
0x9c: {  	[hbm4b:s14+s4] =	stream.linear.scatter [tilespmem:s22], [sflag:$0x6], $0x2000, $0x38;
	[tilespmem:$0x1B780] =	vst v63  }
0x9d: {  	_ =	swait.ge [sflag:s1], $0x2000  }
0x9e: {  	[sflag:s1] =	ssyncset.done $0x0  }
0x9f: {  	s13 =	sadd.s32 $0x400, s14;
	[sflag:s1] =	ssyncadd.s32 $0xFFFFE000  }
0xa0: {  	[hbm4b:s13+s4] =	stream.linear.scatter [tilespmem:s24], [sflag:$0x7], $0x2000, $0x38;
	[tilespmem:$0x1B780] =	vst v63  }
0xa1: {  	s13 =	smul.u32 $0x5, s12;
	_ =	swait.ge [sflag:s2], $0x2000  }
0xa2: {  	[sflag:s2] =	ssyncset.done $0x0  }
0xa3: {  	s17 =	sadd.s32 $0x800, s14;
	s15 =	sand.u32 $0xFFFF, s13;
	[sflag:s2] =	ssyncadd.s32 $0xFFFFE000  }
0xa4: {  	[hbm4b:s17+s4] =	stream.linear.scatter [tilespmem:s26], [sflag:$0x8], $0x2000, $0x38;
	[tilespmem:$0x1B780] =	vst v63  }
0xa5: {  	s15 =	smul.u32 $0x47AF, s15;
	_ =	swait.ge [sflag:s18], $0x2000  }
0xa6: {  	[sflag:s18] =	ssyncset.done $0x0  }
0xa7: {  	s17 =	sadd.s32 $0xC00, s14;
	s15 =	sshrl.u32 s15, $0x10;
	[sflag:s18] =	ssyncadd.s32 $0xFFFFE000  }
0xa8: {  	[hbm4b:s17+s4] =	stream.linear.scatter [tilespmem:s29], [sflag:$0x9], $0x2000, $0x38;
	[tilespmem:$0x1B780] =	vst v63  }
0xa9: {  	s17 =	ssub.s32 s13, s15  }
0xaa: {  	s17 =	sand.u32 $0xFFFE, s17  }
0xab: {  	s17 =	sshrl.u32 s17, $0x1  }
0xac: {  	_ =	swait.ge [sflag:s19], $0x2000;
	s15 =	sadd.s32 s15, s17  }
0xad: {  	[sflag:s19] =	ssyncset.done $0x0;
	s15 =	sshrl.u32 s15, $0x4  }
0xae: {  	s14 =	sadd.s32 $0x1000, s14;
	[sflag:s19] =	ssyncadd.s32 $0xFFFFE000;
	s15 =	smul.u32 $0x19, s15  }
0xaf: {  	[hbm4b:s14+s4] =	stream.linear.scatter [tilespmem:s31], [sflag:$0xA], $0x2000, $0x38;
	[tilespmem:$0x1B780] =	vst v63  }
0xb0: {  	s15 =	ssub.s32 s13, s15  }
0xb1: {  	_ =	swait.ge [sflag:s5], $0x2000;
	s14 =	sshll.u32 s15, $0x6  }
0xb2: {  	[sflag:s5] =	ssyncset.done $0x0;
	s14 =	sand.u32 $0xFFC0, s14  }
0xb3: {  	[sflag:s5] =	ssyncadd.s32 $0xFFFFE000;
	s15 =	sor.u32 $0x10800, s14  }
0xb4: {  	s17 =	sand.u32 $0xFF, s12;
	v0 =	vld [tilespmem:s15+$0x0]  }
0xb5: {  	s17 =	smul.u32 $0xCD, s17;
	v1 =	vld [tilespmem:s14+$0x10E80];
	_ =	sdelay $0x1  }
0xb6: {  	s15 =	sshrl.u32 s17, $0x6  }
0xb7: {  	s15 =	sand.u32 $0x3F0, s15  }
0xb8: {  	v0 =	vadd.s32 s15, v0  }
0xb9: {  	v2 =	vand.u32 $0xFFFFFF80, v1;
	v0 =	vshll.u32 v0, $0x7  }
0xba: {  	v1 =	vand.u32 $0x7F, v1;
	v0 =	vadd.s32 v2, v0  }
0xbb: {  	v0 =	vor.u32 v1, v0;
	_ =	sdelay $0x4  }
0xbc: {  	v0 =	vld.idx.msk [tilespmem:v0+s16+$0x0], $0xffff;
	_ =	sdelay $0x4  }
0xbd: {  	s17 =	sor.u32 $0x10810, s14;
	[tilespmem:$0x11500] =	vst v0  }
0xbe: {  	v0 =	vld [tilespmem:s17+$0x0]  }
0xbf: {  	v22 =	vld [tilespmem:s14+$0x10E90];
	_ =	sdelay $0x3  }
0xc0: {  	v0 =	vadd.s32 s15, v0  }
0xc1: {  	v23 =	vand.u32 $0xFFFFFF80, v22;
	v0 =	vshll.u32 v0, $0x7  }
0xc2: {  	v1 =	vand.u32 $0x7F, v22;
	v0 =	vadd.s32 v23, v0  }
0xc3: {  	v0 =	vor.u32 v1, v0;
	_ =	sdelay $0x4  }
0xc4: {  	v0 =	vld.idx.msk [tilespmem:v0+s16+$0x0], $0xffff;
	_ =	sdelay $0x4  }
0xc5: {  	s17 =	sor.u32 $0x10820, s14;
	[tilespmem:$0x11510] =	vst v0  }
0xc6: {  	v0 =	vld [tilespmem:s17+$0x0]  }
0xc7: {  	v24 =	vld [tilespmem:s14+$0x10EA0];
	_ =	sdelay $0x3  }
0xc8: {  	v0 =	vadd.s32 s15, v0  }
0xc9: {  	v25 =	vand.u32 $0xFFFFFF80, v24;
	v0 =	vshll.u32 v0, $0x7  }
0xca: {  	v1 =	vand.u32 $0x7F, v24;
	v0 =	vadd.s32 v25, v0  }
0xcb: {  	v0 =	vor.u32 v1, v0;
	_ =	sdelay $0x4  }
0xcc: {  	v0 =	vld.idx.msk [tilespmem:v0+s16+$0x0], $0xffff;
	_ =	sdelay $0x4  }
0xcd: {  	s17 =	sor.u32 $0x10830, s14;
	[tilespmem:$0x11520] =	vst v0  }
0xce: {  	v0 =	vld [tilespmem:s17+$0x0]  }
0xcf: {  	v26 =	vld [tilespmem:s14+$0x10EB0];
	_ =	sdelay $0x3  }
0xd0: {  	v0 =	vadd.s32 s15, v0  }
0xd1: {  	s14 =	sadd.s32 $0x1, s13;
	v27 =	vand.u32 $0xFFFFFF80, v26;
	v0 =	vshll.u32 v0, $0x7  }
0xd2: {  	s17 =	sand.u32 $0xFFFF, s14;
	v1 =	vand.u32 $0x7F, v26;
	v0 =	vadd.s32 v27, v0  }
0xd3: {  	s15 =	smul.u32 $0x47AF, s17;
	v0 =	vor.u32 v1, v0;
	_ =	sdelay $0x1  }
0xd4: {  	s15 =	sshrl.u32 s15, $0x10  }
0xd5: {  	s17 =	ssub.s32 s14, s15  }
0xd6: {  	s17 =	sand.u32 $0xFFFE, s17  }
0xd7: {  	s17 =	sshrl.u32 s17, $0x1;
	v0 =	vld.idx.msk [tilespmem:v0+s16+$0x0], $0xffff  }
0xd8: {  	s15 =	sadd.s32 s15, s17  }
0xd9: {  	s17 =	sshrl.u32 s15, $0x4  }
0xda: {  	s17 =	smul.u32 $0x19, s17;
	_ =	sdelay $0x1  }
0xdb: {  	s14 =	ssub.s32 s14, s17;
	[tilespmem:$0x11530] =	vst v0  }
0xdc: {  	[tilespmem:s22], [sflag:$0x1] =	stream.indirect.gather [spmem:s3], $0x80, s21, s20, $0xb8;
	[tilespmem:$0x1B780] =	vst v63  }
0xdd: {  	s14 =	sshll.u32 s14, $0x6;
	_ =	swait.ge [sflag:s6], $0x2000  }
0xde: {  	s14 =	sand.u32 $0xFFC0, s14;
	[sflag:s6] =	ssyncset.done $0x0  }
0xdf: {  	s17 =	sor.u32 $0x10800, s14;
	[sflag:s6] =	ssyncadd.s32 $0xFFFFE000  }
0xe0: {  	v28 =	vld [tilespmem:s17+$0x0]  }
0xe1: {  	v29 =	vld [tilespmem:s14+$0x10E80];
	_ =	sdelay $0x2  }
0xe2: {  	s15 =	sand.u32 $0xFFF0, s15  }
0xe3: {  	v0 =	vadd.s32 s15, v28  }
0xe4: {  	v30 =	vand.u32 $0xFFFFFF80, v29;
	v0 =	vshll.u32 v0, $0x7  }
0xe5: {  	v1 =	vand.u32 $0x7F, v29;
	v0 =	vadd.s32 v30, v0  }
0xe6: {  	v0 =	vor.u32 v1, v0;
	_ =	sdelay $0x4  }
0xe7: {  	v0 =	vld.idx.msk [tilespmem:v0+s16+$0x0], $0xffff;
	_ =	sdelay $0x4  }
0xe8: {  	s17 =	sor.u32 $0x10810, s14;
	[tilespmem:$0x11580] =	vst v0  }
0xe9: {  	v0 =	vld [tilespmem:s17+$0x0]  }
0xea: {  	v31 =	vld [tilespmem:s14+$0x10E90];
	_ =	sdelay $0x3  }
0xeb: {  	v0 =	vadd.s32 s15, v0  }
0xec: {  	v32 =	vand.u32 $0xFFFFFF80, v31;
	v0 =	vshll.u32 v0, $0x7  }
0xed: {  	v1 =	vand.u32 $0x7F, v31;
	v0 =	vadd.s32 v32, v0  }
0xee: {  	v0 =	vor.u32 v1, v0;
	_ =	sdelay $0x4  }
0xef: {  	v0 =	vld.idx.msk [tilespmem:v0+s16+$0x0], $0xffff;
	_ =	sdelay $0x4  }
0xf0: {  	s17 =	sor.u32 $0x10820, s14;
	[tilespmem:$0x11590] =	vst v0  }
0xf1: {  	v0 =	vld [tilespmem:s17+$0x0]  }
0xf2: {  	v33 =	vld [tilespmem:s14+$0x10EA0];
	_ =	sdelay $0x3  }
0xf3: {  	v0 =	vadd.s32 s15, v0  }
0xf4: {  	v34 =	vand.u32 $0xFFFFFF80, v33;
	v0 =	vshll.u32 v0, $0x7  }
0xf5: {  	v1 =	vand.u32 $0x7F, v33;
	v0 =	vadd.s32 v34, v0  }
0xf6: {  	v0 =	vor.u32 v1, v0;
	_ =	sdelay $0x4  }
0xf7: {  	v0 =	vld.idx.msk [tilespmem:v0+s16+$0x0], $0xffff;
	_ =	sdelay $0x4  }
0xf8: {  	s17 =	sor.u32 $0x10830, s14;
	[tilespmem:$0x115A0] =	vst v0  }
0xf9: {  	v0 =	vld [tilespmem:s17+$0x0]  }
0xfa: {  	v35 =	vld [tilespmem:s14+$0x10EB0];
	_ =	sdelay $0x3  }
0xfb: {  	v0 =	vadd.s32 s15, v0  }
0xfc: {  	s14 =	sadd.s32 $0x2, s13;
	v36 =	vand.u32 $0xFFFFFF80, v35;
	v0 =	vshll.u32 v0, $0x7  }
0xfd: {  	s17 =	sand.u32 $0xFFFF, s14;
	v1 =	vand.u32 $0x7F, v35;
	v0 =	vadd.s32 v36, v0  }
0xfe: {  	s15 =	smul.u32 $0x47AF, s17;
	v0 =	vor.u32 v1, v0;
	_ =	sdelay $0x1  }
0xff: {  	s15 =	sshrl.u32 s15, $0x10  }
0x100: {  	s17 =	ssub.s32 s14, s15  }
0x101: {  	s17 =	sand.u32 $0xFFFE, s17  }
0x102: {  	s17 =	sshrl.u32 s17, $0x1;
	v0 =	vld.idx.msk [tilespmem:v0+s16+$0x0], $0xffff  }
0x103: {  	s15 =	sadd.s32 s15, s17  }
0x104: {  	s17 =	sshrl.u32 s15, $0x4  }
0x105: {  	s17 =	smul.u32 $0x19, s17;
	_ =	sdelay $0x1  }
0x106: {  	s14 =	ssub.s32 s14, s17;
	[tilespmem:$0x115B0] =	vst v0  }
0x107: {  	[tilespmem:s24], [sflag:$0x2] =	stream.indirect.gather [spmem:s3], $0x80, s23, s20, $0xb8;
	[tilespmem:$0x1B780] =	vst v63  }
0x108: {  	s14 =	sshll.u32 s14, $0x6;
	_ =	swait.ge [sflag:s7], $0x2000  }
0x109: {  	s14 =	sand.u32 $0xFFC0, s14;
	[sflag:s7] =	ssyncset.done $0x0  }
0x10a: {  	s17 =	sor.u32 $0x10800, s14;
	[sflag:s7] =	ssyncadd.s32 $0xFFFFE000  }
0x10b: {  	v37 =	vld [tilespmem:s17+$0x0]  }
0x10c: {  	v38 =	vld [tilespmem:s14+$0x10E80];
	_ =	sdelay $0x2  }
0x10d: {  	s15 =	sand.u32 $0xFFF0, s15  }
0x10e: {  	v0 =	vadd.s32 s15, v37  }
0x10f: {  	v39 =	vand.u32 $0xFFFFFF80, v38;
	v0 =	vshll.u32 v0, $0x7  }
0x110: {  	v1 =	vand.u32 $0x7F, v38;
	v0 =	vadd.s32 v39, v0  }
0x111: {  	v0 =	vor.u32 v1, v0;
	_ =	sdelay $0x4  }
0x112: {  	v0 =	vld.idx.msk [tilespmem:v0+s16+$0x0], $0xffff;
	_ =	sdelay $0x4  }
0x113: {  	s17 =	sor.u32 $0x10810, s14;
	[tilespmem:$0x11600] =	vst v0  }
0x114: {  	v0 =	vld [tilespmem:s17+$0x0]  }
0x115: {  	v40 =	vld [tilespmem:s14+$0x10E90];
	_ =	sdelay $0x3  }
0x116: {  	v0 =	vadd.s32 s15, v0  }
0x117: {  	v41 =	vand.u32 $0xFFFFFF80, v40;
	v0 =	vshll.u32 v0, $0x7  }
0x118: {  	v1 =	vand.u32 $0x7F, v40;
	v0 =	vadd.s32 v41, v0  }
0x119: {  	v0 =	vor.u32 v1, v0;
	_ =	sdelay $0x4  }
0x11a: {  	v0 =	vld.idx.msk [tilespmem:v0+s16+$0x0], $0xffff;
	_ =	sdelay $0x4  }
0x11b: {  	s17 =	sor.u32 $0x10820, s14;
	[tilespmem:$0x11610] =	vst v0  }
0x11c: {  	v0 =	vld [tilespmem:s17+$0x0]  }
0x11d: {  	v42 =	vld [tilespmem:s14+$0x10EA0];
	_ =	sdelay $0x3  }
0x11e: {  	v0 =	vadd.s32 s15, v0  }
0x11f: {  	v43 =	vand.u32 $0xFFFFFF80, v42;
	v0 =	vshll.u32 v0, $0x7  }
0x120: {  	v1 =	vand.u32 $0x7F, v42;
	v0 =	vadd.s32 v43, v0  }
0x121: {  	v0 =	vor.u32 v1, v0;
	_ =	sdelay $0x4  }
0x122: {  	v0 =	vld.idx.msk [tilespmem:v0+s16+$0x0], $0xffff;
	_ =	sdelay $0x4  }
0x123: {  	s17 =	sor.u32 $0x10830, s14;
	[tilespmem:$0x11620] =	vst v0  }
0x124: {  	v0 =	vld [tilespmem:s17+$0x0]  }
0x125: {  	v44 =	vld [tilespmem:s14+$0x10EB0];
	_ =	sdelay $0x3  }
0x126: {  	v0 =	vadd.s32 s15, v0  }
0x127: {  	s14 =	sadd.s32 $0x3, s13;
	v45 =	vand.u32 $0xFFFFFF80, v44;
	v0 =	vshll.u32 v0, $0x7  }
0x128: {  	s17 =	sand.u32 $0xFFFF, s14;
	v1 =	vand.u32 $0x7F, v44;
	v0 =	vadd.s32 v45, v0  }
0x129: {  	s15 =	smul.u32 $0x47AF, s17;
	v0 =	vor.u32 v1, v0;
	_ =	sdelay $0x1  }
0x12a: {  	s15 =	sshrl.u32 s15, $0x10  }
0x12b: {  	s17 =	ssub.s32 s14, s15  }
0x12c: {  	s17 =	sand.u32 $0xFFFE, s17  }
0x12d: {  	s17 =	sshrl.u32 s17, $0x1;
	v0 =	vld.idx.msk [tilespmem:v0+s16+$0x0], $0xffff  }
0x12e: {  	s15 =	sadd.s32 s15, s17  }
0x12f: {  	s17 =	sshrl.u32 s15, $0x4  }
0x130: {  	s17 =	smul.u32 $0x19, s17;
	_ =	sdelay $0x1  }
0x131: {  	s14 =	ssub.s32 s14, s17;
	[tilespmem:$0x11630] =	vst v0  }
0x132: {  	[tilespmem:s26], [sflag:$0x3] =	stream.indirect.gather [spmem:s3], $0x80, s25, s20, $0xb8;
	[tilespmem:$0x1B780] =	vst v63  }
0x133: {  	s14 =	sshll.u32 s14, $0x6;
	_ =	swait.ge [sflag:s8], $0x2000  }
0x134: {  	s14 =	sand.u32 $0xFFC0, s14;
	[sflag:s8] =	ssyncset.done $0x0  }
0x135: {  	s17 =	sor.u32 $0x10800, s14;
	[sflag:s8] =	ssyncadd.s32 $0xFFFFE000  }
0x136: {  	v46 =	vld [tilespmem:s17+$0x0]  }
0x137: {  	v47 =	vld [tilespmem:s14+$0x10E80];
	_ =	sdelay $0x2  }
0x138: {  	s15 =	sand.u32 $0xFFF0, s15  }
0x139: {  	v0 =	vadd.s32 s15, v46  }
0x13a: {  	v48 =	vand.u32 $0xFFFFFF80, v47;
	v0 =	vshll.u32 v0, $0x7  }
0x13b: {  	v1 =	vand.u32 $0x7F, v47;
	v0 =	vadd.s32 v48, v0  }
0x13c: {  	v0 =	vor.u32 v1, v0;
	_ =	sdelay $0x4  }
0x13d: {  	v0 =	vld.idx.msk [tilespmem:v0+s16+$0x0], $0xffff;
	_ =	sdelay $0x4  }
0x13e: {  	s17 =	sor.u32 $0x10810, s14;
	[tilespmem:$0x11680] =	vst v0  }
0x13f: {  	v0 =	vld [tilespmem:s17+$0x0]  }
0x140: {  	v49 =	vld [tilespmem:s14+$0x10E90];
	_ =	sdelay $0x3  }
0x141: {  	v0 =	vadd.s32 s15, v0  }
0x142: {  	v50 =	vand.u32 $0xFFFFFF80, v49;
	v0 =	vshll.u32 v0, $0x7  }
0x143: {  	v1 =	vand.u32 $0x7F, v49;
	v0 =	vadd.s32 v50, v0  }
0x144: {  	v0 =	vor.u32 v1, v0;
	_ =	sdelay $0x4  }
0x145: {  	v0 =	vld.idx.msk [tilespmem:v0+s16+$0x0], $0xffff;
	_ =	sdelay $0x4  }
0x146: {  	s17 =	sor.u32 $0x10820, s14;
	[tilespmem:$0x11690] =	vst v0  }
0x147: {  	v0 =	vld [tilespmem:s17+$0x0]  }
0x148: {  	v51 =	vld [tilespmem:s14+$0x10EA0];
	_ =	sdelay $0x3  }
0x149: {  	v0 =	vadd.s32 s15, v0  }
0x14a: {  	v52 =	vand.u32 $0xFFFFFF80, v51;
	v0 =	vshll.u32 v0, $0x7  }
0x14b: {  	v1 =	vand.u32 $0x7F, v51;
	v0 =	vadd.s32 v52, v0  }
0x14c: {  	v0 =	vor.u32 v1, v0;
	_ =	sdelay $0x4  }
0x14d: {  	v0 =	vld.idx.msk [tilespmem:v0+s16+$0x0], $0xffff;
	_ =	sdelay $0x4  }
0x14e: {  	s17 =	sor.u32 $0x10830, s14;
	[tilespmem:$0x116A0] =	vst v0  }
0x14f: {  	v0 =	vld [tilespmem:s17+$0x0]  }
0x150: {  	v53 =	vld [tilespmem:s14+$0x10EB0];
	_ =	sdelay $0x3  }
0x151: {  	v0 =	vadd.s32 s15, v0  }
0x152: {  	s13 =	sadd.s32 $0x4, s13;
	v54 =	vand.u32 $0xFFFFFF80, v53;
	v0 =	vshll.u32 v0, $0x7  }
0x153: {  	v1 =	vand.u32 $0x7F, v53;
	s15 =	sand.u32 $0xFFFF, s13;
	v0 =	vadd.s32 v54, v0  }
0x154: {  	s14 =	smul.u32 $0x47AF, s15;
	v0 =	vor.u32 v1, v0;
	_ =	sdelay $0x1  }
0x155: {  	s14 =	sshrl.u32 s14, $0x10  }
0x156: {  	s17 =	ssub.s32 s13, s14  }
0x157: {  	s15 =	sand.u32 $0xFFFE, s17  }
0x158: {  	s15 =	sshrl.u32 s15, $0x1;
	v0 =	vld.idx.msk [tilespmem:v0+s16+$0x0], $0xffff  }
0x159: {  	s14 =	sadd.s32 s14, s15  }
0x15a: {  	s15 =	sshrl.u32 s14, $0x4  }
0x15b: {  	s15 =	smul.u32 $0x19, s15;
	_ =	sdelay $0x1  }
0x15c: {  	s13 =	ssub.s32 s13, s15;
	[tilespmem:$0x116B0] =	vst v0  }
0x15d: {  	[tilespmem:s29], [sflag:$0x4] =	stream.indirect.gather [spmem:s3], $0x80, s28, s20, $0xb8;
	[tilespmem:$0x1B780] =	vst v63  }
0x15e: {  	s13 =	sshll.u32 s13, $0x6;
	_ =	swait.ge [sflag:s9], $0x2000  }
0x15f: {  	s13 =	sand.u32 $0xFFC0, s13;
	[sflag:s9] =	ssyncset.done $0x0  }
0x160: {  	s17 =	sor.u32 $0x10800, s13;
	[sflag:s9] =	ssyncadd.s32 $0xFFFFE000  }
0x161: {  	v55 =	vld [tilespmem:s17+$0x0]  }
0x162: {  	v56 =	vld [tilespmem:s13+$0x10E80];
	_ =	sdelay $0x2  }
0x163: {  	s14 =	sand.u32 $0xFFF0, s14  }
0x164: {  	v0 =	vadd.s32 s14, v55  }
0x165: {  	v57 =	vand.u32 $0xFFFFFF80, v56;
	v0 =	vshll.u32 v0, $0x7  }
0x166: {  	v1 =	vand.u32 $0x7F, v56;
	v0 =	vadd.s32 v57, v0  }
0x167: {  	v0 =	vor.u32 v1, v0;
	_ =	sdelay $0x4  }
0x168: {  	v0 =	vld.idx.msk [tilespmem:v0+s16+$0x0], $0xffff;
	_ =	sdelay $0x4  }
0x169: {  	s17 =	sor.u32 $0x10810, s13;
	[tilespmem:$0x11700] =	vst v0  }
0x16a: {  	v0 =	vld [tilespmem:s17+$0x0]  }
0x16b: {  	v58 =	vld [tilespmem:s13+$0x10E90];
	_ =	sdelay $0x3  }
0x16c: {  	v0 =	vadd.s32 s14, v0  }
0x16d: {  	v59 =	vand.u32 $0xFFFFFF80, v58;
	v0 =	vshll.u32 v0, $0x7  }
0x16e: {  	v1 =	vand.u32 $0x7F, v58;
	v0 =	vadd.s32 v59, v0  }
0x16f: {  	v0 =	vor.u32 v1, v0;
	_ =	sdelay $0x4  }
0x170: {  	v0 =	vld.idx.msk [tilespmem:v0+s16+$0x0], $0xffff;
	_ =	sdelay $0x4  }
0x171: {  	s17 =	sor.u32 $0x10820, s13;
	[tilespmem:$0x11710] =	vst v0  }
0x172: {  	v0 =	vld [tilespmem:s17+$0x0]  }
0x173: {  	v60 =	vld [tilespmem:s13+$0x10EA0];
	_ =	sdelay $0x3  }
0x174: {  	v0 =	vadd.s32 s14, v0  }
0x175: {  	v61 =	vand.u32 $0xFFFFFF80, v60;
	v0 =	vshll.u32 v0, $0x7  }
0x176: {  	v1 =	vand.u32 $0x7F, v60;
	v0 =	vadd.s32 v61, v0  }
0x177: {  	v0 =	vor.u32 v1, v0;
	_ =	sdelay $0x4  }
0x178: {  	v0 =	vld.idx.msk [tilespmem:v0+s16+$0x0], $0xffff;
	_ =	sdelay $0x4  }
0x179: {  	s17 =	sor.u32 $0x10830, s13;
	[tilespmem:$0x11720] =	vst v0  }
0x17a: {  	v0 =	vld [tilespmem:s17+$0x0]  }
0x17b: {  	v62 =	vld [tilespmem:s13+$0x10EB0];
	_ =	sdelay $0x3  }
0x17c: {  	v0 =	vadd.s32 s14, v0  }
0x17d: {  	v63 =	vand.u32 $0xFFFFFF80, v62;
	v0 =	vshll.u32 v0, $0x7  }
0x17e: {  	v1 =	vand.u32 $0x7F, v62;
	v0 =	vadd.s32 v63, v0  }
0x17f: {  	v0 =	vor.u32 v1, v0;
	_ =	sdelay $0x4  }
0x180: {  	v0 =	vld.idx.msk [tilespmem:v0+s16+$0x0], $0xffff  }
0x181: {  	p1 =	sne.s32 s11, $0xC5800  }
.Ltmp0:
0x182: {  	_ = 	snop;
	(pc) =	sbr.rel @p1 .LBB2_2-.Ltmp0, $3  }
0x183: {  	_ =	sdelay $0x1  }
0x184: {  	s11 =	sadd.s32 $0x1400, s11;
	s12 =	sadd.s32 $0x1, s12;
	[tilespmem:$0x11730] =	vst v0  }
0x185: {  	[tilespmem:s31], [sflag:$0x5] =	stream.indirect.gather [spmem:s3], $0x80, s30, s20, $0xb8;
	[tilespmem:$0x1B780] =	vst v63  }
0x186: {  	_ =	swait.ge [sflag:s0], $0x2000  }
0x187: {  	[sflag:s0] =	ssyncset.done $0x0  }
0x188: {  	s11 =	rddreg [dreg:$0xa];
	[sflag:s0] =	ssyncadd.s32 $0xFFFFE000  }
0x189: {  	[hbm4b:s11+s4] =	stream.linear.scatter [tilespmem:s22], [sflag:$0x6], $0x2000, $0x38;
	[tilespmem:$0x1B780] =	vst v63  }
0x18a: {  	_ =	swait.ge [sflag:s1], $0x2000  }
0x18b: {  	[sflag:s1] =	ssyncset.done $0x0  }
0x18c: {  	s12 =	rddreg [dreg:$0xb];
	[sflag:s1] =	ssyncadd.s32 $0xFFFFE000  }
0x18d: {  	[hbm4b:s12+s4] =	stream.linear.scatter [tilespmem:s24], [sflag:$0x7], $0x2000, $0x38;
	[tilespmem:$0x1B780] =	vst v63  }
0x18e: {  	_ =	swait.ge [sflag:s2], $0x2000  }
0x18f: {  	[sflag:s2] =	ssyncset.done $0x0  }
0x190: {  	s13 =	rddreg [dreg:$0xc];
	[sflag:s2] =	ssyncadd.s32 $0xFFFFE000  }
0x191: {  	[hbm4b:s13+s4] =	stream.linear.scatter [tilespmem:s26], [sflag:$0x8], $0x2000, $0x38;
	[tilespmem:$0x1B780] =	vst v63  }
0x192: {  	_ =	swait.ge [sflag:s18], $0x2000  }
0x193: {  	[sflag:s18] =	ssyncset.done $0x0  }
0x194: {  	s14 =	rddreg [dreg:$0xd];
	[sflag:s18] =	ssyncadd.s32 $0xFFFFE000  }
0x195: {  	[hbm4b:s14+s4] =	stream.linear.scatter [tilespmem:s29], [sflag:$0x9], $0x2000, $0x38;
	[tilespmem:$0x1B780] =	vst v63  }
0x196: {  	_ =	swait.ge [sflag:s19], $0x2000  }
0x197: {  	[sflag:s19] =	ssyncset.done $0x0  }
0x198: {  	s15 =	rddreg [dreg:$0xe];
	[sflag:s19] =	ssyncadd.s32 $0xFFFFE000  }
0x199: {  	[hbm4b:s15+s4] =	stream.linear.scatter [tilespmem:s31], [sflag:$0xA], $0x2000, $0x38;
	[tilespmem:$0x1B780] =	vst v63  }
0x19a: {  	_ =	swait.ge [sflag:s5], $0x2000  }
0x19b: {  	[sflag:s5] =	ssyncset.done $0x0  }
0x19c: {  	[sflag:s5] =	ssyncadd.s32 $0xFFFFE000  }
0x19d: {  	_ =	swait.ge [sflag:s6], $0x2000  }
0x19e: {  	[sflag:s6] =	ssyncset.done $0x0  }
0x19f: {  	[sflag:s6] =	ssyncadd.s32 $0xFFFFE000  }
0x1a0: {  	_ =	swait.ge [sflag:s7], $0x2000  }
0x1a1: {  	[sflag:s7] =	ssyncset.done $0x0  }
0x1a2: {  	[sflag:s7] =	ssyncadd.s32 $0xFFFFE000  }
0x1a3: {  	_ =	swait.ge [sflag:s8], $0x2000  }
0x1a4: {  	[sflag:s8] =	ssyncset.done $0x0  }
0x1a5: {  	[sflag:s8] =	ssyncadd.s32 $0xFFFFE000  }
0x1a6: {  	_ =	swait.ge [sflag:s9], $0x2000  }
0x1a7: {  	s10 =	sadd.s32 $0x1, s10;
	s17 =	rddreg [dreg:$0xf]  }
0x1a8: {  	p1 =	sne.s32 s10, s17  }
.Ltmp1:
0x1a9: {  	_ = 	snop;
	(pc) =	sbr.rel @p1 .LBB2_1-.Ltmp1, $3  }
0x1aa: {  	_ =	sdelay $0x1  }
0x1ab: {  	[sflag:s9] =	ssyncset.done $0x0  }
0x1ac: {  	[sflag:s9] =	ssyncadd.s32 $0xFFFFE000  }
0x1ad: {  	_ =	sfence.sel $0x180000  }
0x1ae: {  	[bflag:$0x0] =	sbarrier.arrive $0xFFFF  }
0x1af: {  	_ =	strace $0x90000047  }
0x1b0: {  	[bflag:$0x2] =	sbarrier.arrive $0xFFFF  }
0x1b1: {  	s0 =	rddreg [dreg:$0x5]  }
0x1b2: {  	s0 =	sadd.s32 @!p0 $0x100000, s0  }
0x1b3: {  	[sflag:s0] =	ssyncadd.tile.s32 @!p0 $0x1;
	_ =	shalt  }
.Lfunc_end2:
_tile_overlayer_lowered:
.L_overlay_start_2:
0x1b4: {  	(tag) =	ssettag $0x2  }
0x1b5: {  	s0 =	rddreg [dreg:$0x0];
	s2 =	stileid.u32  }
0x1b6: {  	s1 =	rddreg [dreg:$0x1];
	p0 =	sne.s32 s2, $0x0  }
0x1b7: {  	s3 =	rddreg [dreg:$0x2];
	[bflag:$0x3] =	sbarrier.arrive $0xFFFF;
	s2 =	simm.s32 @!p0 $0x1C0B  }
0x1b8: {  	[timem:s3], [sflag:s2] =	dma.local @!p0 [hbm:s0], s1  }
0x1b9: {  	s0 =	simm.s32 @!p0 $0xB  }
0x1ba: {  	_ =	swait.ge @!p0 [sflag:s0], s1  }
0x1bb: {  	s1 =	ssub.s32 @!p0 $0x0, s1;
	[sflag:s0] =	ssyncset.done @!p0 $0x0  }
0x1bc: {  	[sflag:s0] =	ssyncadd.s32 @!p0 s1  }
0x1bd: {  	[bflag:$0x3] =	sbarrier.arrive $0xFFFF  }
0x1be: {  	_ =	shalt  }

</sc_bundles>
